<compile_context>
chip_gen: v7x
topology: tpu7x:2x2x1
jax: 0.10.2.dev20260603
libtpu: 0.0.44.dev20260713+nightly
codegen_flags: <defaults>
</compile_context>

<pallas_src>
import functools
import jax
import jax.numpy as jnp
from jax import lax
from jax.experimental import pallas as pl
from jax.experimental.pallas import tpu as pltpu, tpu_sc as plsc

_STRIDE = 4
_RADIUS = 0.2
_K = 32
_DPAD = 128


def _fps_body(pts_ref, idx_ref, cx_ref, cy_ref, cz_ref):
    b, _, n = pts_ref.shape
    m = idx_ref.shape[1]
    xs = pts_ref[:, 0, :]
    ys = pts_ref[:, 1, :]
    zs = pts_ref[:, 2, :]
    lane_n = lax.broadcasted_iota(jnp.int32, (b, n), 1)
    lane_m = lax.broadcasted_iota(jnp.int32, (b, m), 1)

    def body(t, carry):
        dist, last = carry
        eq = lane_n == last
        lx = jnp.sum(jnp.where(eq, xs, 0.0), axis=1, keepdims=True)
        ly = jnp.sum(jnp.where(eq, ys, 0.0), axis=1, keepdims=True)
        lz = jnp.sum(jnp.where(eq, zs, 0.0), axis=1, keepdims=True)
        mask_t = lane_m == t
        idx_ref[...] = jnp.where(mask_t, last, idx_ref[...])
        cx_ref[...] = jnp.where(mask_t, lx, cx_ref[...])
        cy_ref[...] = jnp.where(mask_t, ly, cy_ref[...])
        cz_ref[...] = jnp.where(mask_t, lz, cz_ref[...])
        dx = xs - lx
        dy = ys - ly
        dz = zs - lz
        d = dx * dx + dy * dy
        d = d + dz * dz
        dist = jnp.minimum(dist, d)
        mx = jnp.max(dist, axis=1, keepdims=True)
        nxt = jnp.min(jnp.where(dist == mx, lane_n, n), axis=1, keepdims=True)
        return dist, nxt.astype(jnp.int32)

    dist0 = jnp.full((b, n), 1e10, dtype=jnp.float32)
    last0 = jnp.zeros((b, 1), dtype=jnp.int32)
    lax.fori_loop(0, m, body, (dist0, last0))


def _run_fps(pts_t, m):
    b, _, n = pts_t.shape
    return pl.pallas_call(
        _fps_body,
        out_shape=(
            jax.ShapeDtypeStruct((b, m), jnp.int32),
            jax.ShapeDtypeStruct((b, m), jnp.float32),
            jax.ShapeDtypeStruct((b, m), jnp.float32),
            jax.ShapeDtypeStruct((b, m), jnp.float32),
        ),
    )(pts_t)


def _ballq_body(pts_ref, cent_ref, gidx_ref, *, n, k):
    bi = pl.program_id(0)
    mt = cent_ref.shape[1]
    px = pts_ref[0, 0, :].reshape(1, n)
    py = pts_ref[0, 1, :].reshape(1, n)
    pz = pts_ref[0, 2, :].reshape(1, n)
    c = cent_ref[0]
    cx = c[:, 0:1]
    cy = c[:, 1:2]
    cz = c[:, 2:3]
    dx = cx - px
    dy = cy - py
    dz = cz - pz
    sqd = dx * dx + dy * dy
    sqd = sqd + dz * dz
    hits = sqd <= _RADIUS ** 2
    lane = lax.broadcasted_iota(jnp.int32, (mt, n), 1)
    big = jnp.int32(n)
    nch = n // 128
    hf = hits.astype(jnp.float32).reshape(mt * nch, 128)
    r0 = lax.broadcasted_iota(jnp.int32, (128, 128), 0)
    c0 = lax.broadcasted_iota(jnp.int32, (128, 128), 1)
    ltri = (r0 <= c0).astype(jnp.float32)
    cs = jnp.dot(hf, ltri, preferred_element_type=jnp.float32)
    cs = cs.reshape(mt, nch, 128)
    base = cs[:, :, 127]
    r1 = lax.broadcasted_iota(jnp.int32, (nch, nch), 0)
    c1 = lax.broadcasted_iota(jnp.int32, (nch, nch), 1)
    utri = (r1 < c1).astype(jnp.float32)
    exb = jnp.dot(base, utri, preferred_element_type=jnp.float32)
    rank = (cs + exb.reshape(mt, nch, 1)).reshape(mt, n)
    hitsf = hf.reshape(mt, n)
    rankv = rank * hitsf
    cols = []
    for kk in range(k):
        cand = jnp.min(jnp.where(rankv == float(kk + 1), lane, big),
                       axis=1, keepdims=True)
        cols.append(cand)
    idx = jnp.concatenate(cols, axis=1)
    first = idx[:, 0:1]
    idx = jnp.where(idx == big, first, idx)
    idx = jnp.where(idx == big, 0, idx)
    gidx_ref[0] = idx + bi * n


def _run_ballq(pts_t, centroids, m, mt, k):
    b, _, n = pts_t.shape
    return pl.pallas_call(
        functools.partial(_ballq_body, n=n, k=k),
        grid=(b, m // mt),
        in_specs=[
            pl.BlockSpec((1, 3, n), lambda i, j: (i, 0, 0)),
            pl.BlockSpec((1, mt, 3), lambda i, j: (i, j, 0)),
        ],
        out_specs=pl.BlockSpec((1, mt, k), lambda i, j: (i, j, 0)),
        out_shape=jax.ShapeDtypeStruct((b, m, k), jnp.int32),
    )(pts_t, centroids)


def _run_sc_gather(table, gidx_flat):
    rows_total, d = table.shape
    ntotal = gidx_flat.shape[0]
    info = plsc.get_sparse_core_info()
    nc, ns = info.num_cores, info.num_subcores
    nw = nc * ns
    per_w = ntotal // nw
    chunk = 128
    nchunks = per_w // chunk
    idx2d = gidx_flat.reshape(ntotal // chunk, chunk)
    mesh = plsc.VectorSubcoreMesh(core_axis_name="c", subcore_axis_name="s")

    @functools.partial(
        pl.kernel,
        mesh=mesh,
        out_type=jax.ShapeDtypeStruct((ntotal, d), jnp.float32),
        scratch_types=[
            pltpu.VMEM((nchunks, chunk), jnp.int32),
            pltpu.VMEM((chunk, d), jnp.float32),
            pltpu.SemaphoreType.DMA,
        ],
    )
    def gather_k(table_hbm, idx_hbm, out_hbm, idx_v, rows_v, sem):
        wid = lax.axis_index("s") * nc + lax.axis_index("c")
        row0 = wid * nchunks
        pltpu.sync_copy(idx_hbm.at[pl.ds(row0, nchunks)], idx_v)

        def body(i, _):
            pltpu.async_copy(table_hbm.at[idx_v.at[i]], rows_v, sem).wait()
            pltpu.sync_copy(rows_v, out_hbm.at[pl.ds((row0 + i) * chunk, chunk)])
            return 0

        lax.fori_loop(0, nchunks, body, 0)

    return gather_k(table, idx2d)


def _conv_body(g_ref, cent_ref, wt_ref, wc_ref, pmax_ref, pmin_ref, s_ref, q_ref, *, k):
    i = pl.program_id(0)
    j = pl.program_id(1)
    mt = g_ref.shape[1]
    d = g_ref.shape[3]
    oc = wt_ref.shape[1]
    rows = g_ref[0].reshape(mt * k, d)
    a = jnp.dot(rows, wt_ref[...], preferred_element_type=jnp.float32)
    a3 = a.reshape(mt, k, oc)
    amax = jnp.max(a3, axis=1)
    amin = jnp.min(a3, axis=1)
    asum = jnp.sum(a3, axis=1)
    asq = jnp.sum(a3 * a3, axis=1)
    c = cent_ref[0]
    cc = (c[:, 0:1] * wc_ref[0:1, :]
          + c[:, 1:2] * wc_ref[1:2, :]
          + c[:, 2:3] * wc_ref[2:3, :])
    pmax_ref[0] = amax - cc
    pmin_ref[0] = amin - cc
    part_s = jnp.sum(asum - k * cc, axis=0, keepdims=True)
    part_q = jnp.sum(asq - 2.0 * cc * asum + k * (cc * cc), axis=0, keepdims=True)

    @pl.when(jnp.logical_and(i == 0, j == 0))
    def _():
        s_ref[...] = jnp.zeros_like(s_ref)
        q_ref[...] = jnp.zeros_like(q_ref)

    s_ref[0:1, :] = s_ref[0:1, :] + part_s
    q_ref[0:1, :] = q_ref[0:1, :] + part_q


def _run_conv(gathered4, centroids, wt, wc, mt, k):
    b, m, _, d = gathered4.shape
    oc = wt.shape[1]
    return pl.pallas_call(
        functools.partial(_conv_body, k=k),
        grid=(b, m // mt),
        in_specs=[
            pl.BlockSpec((1, mt, k, d), lambda i, j: (i, j, 0, 0)),
            pl.BlockSpec((1, mt, 3), lambda i, j: (i, j, 0)),
            pl.BlockSpec((d, oc), lambda i, j: (0, 0)),
            pl.BlockSpec((8, oc), lambda i, j: (0, 0)),
        ],
        out_specs=(
            pl.BlockSpec((1, mt, oc), lambda i, j: (i, j, 0)),
            pl.BlockSpec((1, mt, oc), lambda i, j: (i, j, 0)),
            pl.BlockSpec((8, oc), lambda i, j: (0, 0)),
            pl.BlockSpec((8, oc), lambda i, j: (0, 0)),
        ),
        out_shape=(
            jax.ShapeDtypeStruct((b, m, oc), jnp.float32),
            jax.ShapeDtypeStruct((b, m, oc), jnp.float32),
            jax.ShapeDtypeStruct((8, oc), jnp.float32),
            jax.ShapeDtypeStruct((8, oc), jnp.float32),
        ),
    )(gathered4, centroids, wt, wc)


def _bn_body(pmax_ref, pmin_ref, s_ref, q_ref, gam_ref, bet_ref, out_ref, *, count):
    s = s_ref[0:1, :]
    q = q_ref[0:1, :]
    mean = s / count
    var = q / count - mean * mean
    rstd = lax.rsqrt(var + 1e-5)
    scale = gam_ref[0:1, :] * rstd
    shift = bet_ref[0:1, :] - mean * scale
    pooled = jnp.where(scale >= 0.0, pmax_ref[0], pmin_ref[0])
    out_ref[0] = jnp.maximum(pooled * scale + shift, 0.0)


def _run_bn(pmax, pmin, s, q, gam, bet, count):
    b, m, oc = pmax.shape
    return pl.pallas_call(
        functools.partial(_bn_body, count=count),
        grid=(b,),
        in_specs=[
            pl.BlockSpec((1, m, oc), lambda i: (i, 0, 0)),
            pl.BlockSpec((1, m, oc), lambda i: (i, 0, 0)),
            pl.BlockSpec((8, oc), lambda i: (0, 0)),
            pl.BlockSpec((8, oc), lambda i: (0, 0)),
            pl.BlockSpec((8, oc), lambda i: (0, 0)),
            pl.BlockSpec((8, oc), lambda i: (0, 0)),
        ],
        out_specs=pl.BlockSpec((1, m, oc), lambda i: (i, 0, 0)),
        out_shape=jax.ShapeDtypeStruct((b, m, oc), jnp.float32),
    )(pmax, pmin, s, q, gam, bet)


@jax.jit
def kernel(points, features, W, gamma, beta):
    b, n, _ = points.shape
    c_in = features.shape[-1]
    oc = W.shape[0]
    m = n // _STRIDE
    k = _K

    pts_t = jnp.transpose(points, (0, 2, 1))

    _, cx, cy, cz = _run_fps(pts_t, m)
    centroids = jnp.stack([cx, cy, cz], axis=-1)

    gidx = _run_ballq(pts_t, centroids, m, 128, k)

    table = jnp.concatenate([points, features], axis=-1)
    table = jnp.pad(table, ((0, 0), (0, 0), (0, _DPAD - 3 - c_in)))
    table = table.reshape(b * n, _DPAD)
    gathered = _run_sc_gather(table, gidx.reshape(b * m * k))
    gathered4 = gathered.reshape(b, m, k, _DPAD)

    wp = jnp.transpose(W[:, :3], (1, 0)) / _RADIUS
    wf = jnp.transpose(W[:, 3:], (1, 0))
    wt = jnp.concatenate(
        [wp, wf, jnp.zeros((_DPAD - 3 - c_in, oc), jnp.float32)], axis=0)
    wc = jnp.concatenate([wp, jnp.zeros((5, oc), jnp.float32)], axis=0)

    pmax, pmin, ssum, ssq = _run_conv(gathered4, centroids, wt, wc, 128, k)

    gam = jnp.concatenate(
        [gamma.reshape(1, oc), jnp.zeros((7, oc), jnp.float32)], axis=0)
    bet = jnp.concatenate(
        [beta.reshape(1, oc), jnp.zeros((7, oc), jnp.float32)], axis=0)
    group_features = _run_bn(pmax, pmin, ssum, ssq, gam, bet, float(b * k * m))

    return (centroids, group_features)

# --- scband reference (transcript-rebuilt; emitter-appended) ---
"""Pipeline reference for scband-point-set-abstraction-layer-24850680774733 (READ-ONLY COPY).

The authoritative reference and input builder live on the scoring server;
editing this copy changes nothing except your own understanding.
"""

import jax, jax.numpy as jnp
import numpy as np

STRIDE = 4
RADIUS = 0.2
K = 32
IN_C = 64
OUT_C = 128


def setup_inputs(seed: int = 0) -> dict:
    key = jax.random.key(seed)
    k1, k2, k3 = jax.random.split(key, 3)
    points = jax.random.uniform(k1, (8, 4096, 3), dtype=jnp.float32)
    features = jax.random.normal(k2, (8, 4096, IN_C), dtype=jnp.float32)
    W = jax.random.normal(k3, (OUT_C, IN_C + 3), dtype=jnp.float32) * (1.0 / np.sqrt(IN_C + 3))
    gamma = jnp.ones((OUT_C,), dtype=jnp.float32)
    beta = jnp.zeros((OUT_C,), dtype=jnp.float32)
    return {"points": points, "features": features, "W": W, "gamma": gamma, "beta": beta}


def _fps(points, nsamples):
    # farthest point sampling, starting from index 0 (matches fps_cuda with dis init 1e10)
    b, n, _ = points.shape
    init_dist = jnp.full((b, n), 1e10, dtype=points.dtype)
    first = jnp.zeros((b,), dtype=jnp.int32)

    def body(carry, _):
        dist, last = carry
        lp = points[jnp.arange(b), last]  # (b, 3)
        d = jnp.sum((points - lp[:, None, :]) ** 2, axis=-1)  # (b, n)
        dist = jnp.minimum(dist, d)
        nxt = jnp.argmax(dist, axis=-1).astype(jnp.int32)
        return (dist, nxt), nxt

    (_, _), rest = jax.lax.scan(body, (init_dist, first), None, length=nsamples - 1)
    return jnp.concatenate([first[:, None], rest.T], axis=1)  # (b, nsamples)


def reference(points, features, W, gamma, beta):
    b, n, _ = points.shape
    nsamples = n // STRIDE
    fps_idx = _fps(points, nsamples)
    centroids = jax.vmap(lambda p, i: p[i])(points, fps_idx)  # (b, m, 3)

    # ball query: for each centroid, take first K points within RADIUS (fill with first hit)
    sqd = jnp.sum((centroids[:, :, None, :] - points[:, None, :, :]) ** 2, axis=-1)  # (b, m, n)
    arange = jnp.arange(n)
    idx = jnp.where(sqd <= RADIUS ** 2, arange[None, None, :], n)
    idx = jnp.sort(idx, axis=-1)[:, :, :K]  # (b, m, K)
    first_hit = idx[:, :, :1]
    idx = jnp.where(idx == n, first_hit, idx)
    idx = jnp.where(idx == n, 0, idx)

    gp = jax.vmap(lambda p, i: p[i])(points, idx)    # (b, m, K, 3)
    gf = jax.vmap(lambda f, i: f[i])(features, idx)  # (b, m, K, c)
    gp = jnp.transpose(gp, (0, 3, 2, 1))  # (b, 3, K, m)
    gf = jnp.transpose(gf, (0, 3, 2, 1))  # (b, c, K, m)
    gp = gp - jnp.transpose(centroids, (0, 2, 1))[:, :, None, :]
    res = jnp.concatenate([gp / RADIUS, gf], axis=1)  # (b, 3+c, K, m)

    # 1x1 conv + batchnorm (training-mode batch stats) + relu
    out = jnp.einsum('oc,bckm->bokm', W, res)
    mean = jnp.mean(out, axis=(0, 2, 3), keepdims=True)
    var = jnp.var(out, axis=(0, 2, 3), keepdims=True)
    out = (out - mean) / jnp.sqrt(var + 1e-5)
    out = out * gamma[None, :, None, None] + beta[None, :, None, None]
    out = jax.nn.relu(out)
    out = jnp.max(out, axis=2)  # (b, out_c, m)
    group_features = jnp.transpose(out, (0, 2, 1))  # (b, m, out_c)
    return (centroids, group_features)

if __name__ == "__main__":
    import jax
    _d = setup_inputs()
    print(jax.jit(kernel)(*tuple(_d.values())))

</pallas_src>

<mosaic_0001>
#map = affine_map<(d0, d1) -> (0, 0)>
module attributes {stable_mosaic.version = 14 : i64} {
  func.func @gather_k(%arg0: i32, %arg1: i32, %arg2: memref<32768x128xf32, #tpu.memory_space<hbm>>, %arg3: memref<2048x128xi32, #tpu.memory_space<hbm>>, %arg4: memref<262144x128xf32, #tpu.memory_space<hbm>>, %arg5: memref<64x128xi32, #tpu.memory_space<vmem>>, %arg6: memref<128x128xf32, #tpu.memory_space<vmem>>, %arg7: memref<!tpu.dma_semaphore, #tpu.memory_space<semaphore_mem>>) attributes {dimension_semantics = [#tpu.dimension_semantics<core_parallel>, #tpu.dimension_semantics<subcore_parallel>], iteration_bounds = array<i64: 2, 16>, scalar_prefetch = 0 : i64, scratch_operands = 3 : i64, tpu.core_type = #tpu.core_type<sc_vector_subcore>, window_params = [{transform_indices = #map}, {transform_indices = #map}, {transform_indices = #map}]} {
    %mul3A = arith.constant 2 : i32
    %mul3A_0 = arith.muli %arg1, %mul3A : i32
    %add3A = arith.addi %mul3A_0, %arg0 : i32
    %mul3A_1 = arith.constant 64 : i32
    %mul3A_2 = arith.muli %add3A, %mul3A_1 : i32
    "tpu.region"() ({
      %run_scoped3A = tpu.sem_alloc : memref<!tpu.dma_semaphore, #tpu.memory_space<semaphore_mem>>
      %dma_start3A = arith.constant 0 : i32
      %dma_start3A_9 = tpu.memref_slice %arg3[%mul3A_2, %dma_start3A] : memref<2048x128xi32, #tpu.memory_space<hbm>> -> memref<64x128xi32, #tpu.memory_space<hbm>>
      %dma_start3A_10 = arith.constant 0 : i32
      %dma_start3A_11 = tpu.memref_slice %arg3[%mul3A_2, %dma_start3A_10] : memref<2048x128xi32, #tpu.memory_space<hbm>> -> memref<64x128xi32, #tpu.memory_space<hbm>>
      tpu.enqueue_dma source(%dma_start3A_11 : memref<64x128xi32, #tpu.memory_space<hbm>>) target(%arg5 : memref<64x128xi32, #tpu.memory_space<vmem>>) target_semaphore(%run_scoped3A : memref<!tpu.dma_semaphore, #tpu.memory_space<semaphore_mem>>)
      %dma_wait3A = arith.constant 0 : i32
      %dma_wait3A_12 = tpu.memref_slice %arg3[%mul3A_2, %dma_wait3A] : memref<2048x128xi32, #tpu.memory_space<hbm>> -> memref<64x128xi32, #tpu.memory_space<hbm>>
      %dma_wait3A_13 = arith.constant 0 : i32
      %dma_wait3A_14 = tpu.memref_slice %arg3[%mul3A_2, %dma_wait3A_13] : memref<2048x128xi32, #tpu.memory_space<hbm>> -> memref<64x128xi32, #tpu.memory_space<hbm>>
      tpu.wait_dma2 semaphore(%run_scoped3A : memref<!tpu.dma_semaphore, #tpu.memory_space<semaphore_mem>>) src(%dma_wait3A_14 : memref<64x128xi32, #tpu.memory_space<hbm>>) dst(%arg5 : memref<64x128xi32, #tpu.memory_space<vmem>>)
      tpu.yield
    }) : () -> ()
    %scan3A = arith.constant 0 : i32
    %scan3A_3 = arith.constant 0 : i32
    %scan3A_4 = arith.constant 64 : i32
    %scan3A_5 = arith.addi %scan3A_3, %scan3A_4 : i32
    %scan3A_6 = arith.constant 1 : i32
    %scan3A_7 = scf.for %scan3A_9 = %scan3A_3 to %scan3A_5 step %scan3A_6 iter_args(%scan3A_10 = %scan3A) -> (i32)  : i32 {
      %dma_start3A = arith.constant 0 : i32
      %dma_start3A_11 = tpu.memref_slice %arg5[%scan3A_9, %dma_start3A] : memref<64x128xi32, #tpu.memory_space<vmem>> -> memref<1x128xi32, #tpu.memory_space<vmem>>
      %dma_start3A_12 = tpu.memref_squeeze %dma_start3A_11 : memref<1x128xi32, #tpu.memory_space<vmem>> -> memref<128xi32, #tpu.memory_space<vmem>>
      %dma_start3A_13 = arith.constant 0 : i32
      %dma_start3A_14 = arith.constant 0 : i32
      %dma_start3A_15 = tpu.memref_slice %arg2[%dma_start3A_13, %dma_start3A_14] : memref<32768x128xf32, #tpu.memory_space<hbm>> -> memref<32768x128xf32, #tpu.memory_space<hbm>>
      tpu.enqueue_indirect_dma source(%dma_start3A_15 : memref<32768x128xf32, #tpu.memory_space<hbm>>) target(%arg6 : memref<128x128xf32, #tpu.memory_space<vmem>>) offsets(%dma_start3A_12 : memref<128xi32, #tpu.memory_space<vmem>>) semaphore(%arg7 : memref<!tpu.dma_semaphore, #tpu.memory_space<semaphore_mem>>)
      %dma_wait3A = arith.constant 0 : i32
      %dma_wait3A_16 = tpu.memref_slice %arg5[%scan3A_9, %dma_wait3A] : memref<64x128xi32, #tpu.memory_space<vmem>> -> memref<1x128xi32, #tpu.memory_space<vmem>>
      %dma_wait3A_17 = tpu.memref_squeeze %dma_wait3A_16 : memref<1x128xi32, #tpu.memory_space<vmem>> -> memref<128xi32, #tpu.memory_space<vmem>>
      %dma_wait3A_18 = arith.constant 0 : i32
      %dma_wait3A_19 = arith.constant 0 : i32
      %dma_wait3A_20 = tpu.memref_slice %arg2[%dma_wait3A_18, %dma_wait3A_19] : memref<32768x128xf32, #tpu.memory_space<hbm>> -> memref<32768x128xf32, #tpu.memory_space<hbm>>
      tpu.wait_indirect_dma semaphore(%arg7 : memref<!tpu.dma_semaphore, #tpu.memory_space<semaphore_mem>>) src(%dma_wait3A_20 : memref<32768x128xf32, #tpu.memory_space<hbm>>) dst(%arg6 : memref<128x128xf32, #tpu.memory_space<vmem>>)
      %add3A_21 = arith.addi %mul3A_2, %scan3A_9 : i32
      %mul3A_22 = arith.constant 128 : i32
      %mul3A_23 = arith.muli %add3A_21, %mul3A_22 : i32
      "tpu.region"() ({
        %run_scoped3A = tpu.sem_alloc : memref<!tpu.dma_semaphore, #tpu.memory_space<semaphore_mem>>
        %dma_start3A_25 = arith.constant 0 : i32
        %dma_start3A_26 = tpu.memref_slice %arg4[%mul3A_23, %dma_start3A_25] : memref<262144x128xf32, #tpu.memory_space<hbm>> -> memref<128x128xf32, #tpu.memory_space<hbm>>
        %dma_start3A_27 = arith.constant 0 : i32
        %dma_start3A_28 = tpu.memref_slice %arg4[%mul3A_23, %dma_start3A_27] : memref<262144x128xf32, #tpu.memory_space<hbm>> -> memref<128x128xf32, #tpu.memory_space<hbm>>
        tpu.enqueue_dma source(%arg6 : memref<128x128xf32, #tpu.memory_space<vmem>>) target(%dma_start3A_28 : memref<128x128xf32, #tpu.memory_space<hbm>>) target_semaphore(%run_scoped3A : memref<!tpu.dma_semaphore, #tpu.memory_space<semaphore_mem>>)
        %dma_wait3A_29 = arith.constant 0 : i32
        %dma_wait3A_30 = tpu.memref_slice %arg4[%mul3A_23, %dma_wait3A_29] : memref<262144x128xf32, #tpu.memory_space<hbm>> -> memref<128x128xf32, #tpu.memory_space<hbm>>
        %dma_wait3A_31 = arith.constant 0 : i32
        %dma_wait3A_32 = tpu.memref_slice %arg4[%mul3A_23, %dma_wait3A_31] : memref<262144x128xf32, #tpu.memory_space<hbm>> -> memref<128x128xf32, #tpu.memory_space<hbm>>
        tpu.wait_dma2 semaphore(%run_scoped3A : memref<!tpu.dma_semaphore, #tpu.memory_space<semaphore_mem>>) src(%arg6 : memref<128x128xf32, #tpu.memory_space<vmem>>) dst(%dma_wait3A_32 : memref<128x128xf32, #tpu.memory_space<hbm>>)
        tpu.yield
      }) : () -> ()
      %scan3A_24 = arith.constant 0 : i32
      scf.yield %scan3A_24 : i32
    }
    %scan3A_8 = arith.constant 64 : i32
    return
  }
}

module attributes {stable_mosaic.version = 14 : i64} {
  func.func @_fps_body(%arg0: memref<8x3x4096xf32, #tpu.memory_space<vmem>>, %arg1: memref<8x1024xi32, #tpu.memory_space<vmem>>, %arg2: memref<8x1024xf32, #tpu.memory_space<vmem>>, %arg3: memref<8x1024xf32, #tpu.memory_space<vmem>>, %arg4: memref<8x1024xf32, #tpu.memory_space<vmem>>) attributes {dimension_semantics = [], scalar_prefetch = 0 : i64, scratch_operands = 0 : i64, tpu.core_type = #tpu.core_type<tc>} {
    %get3A = arith.constant 0 : index
    %get3A_0 = arith.constant 0 : index
    %get3A_1 = arith.constant 0 : index
    %get3A_2 = vector.load %arg0[%get3A, %get3A_0, %get3A_1] : memref<8x3x4096xf32, #tpu.memory_space<vmem>>, vector<8x1x4096xf32>
    %get3A_3 = vector.shape_cast %get3A_2 : vector<8x1x4096xf32> to vector<8x4096xf32>
    %get3A_4 = arith.constant 0 : index
    %get3A_5 = arith.constant 1 : index
    %get3A_6 = arith.constant 0 : index
    %get3A_7 = vector.load %arg0[%get3A_4, %get3A_5, %get3A_6] : memref<8x3x4096xf32, #tpu.memory_space<vmem>>, vector<8x1x4096xf32>
    %get3A_8 = vector.shape_cast %get3A_7 : vector<8x1x4096xf32> to vector<8x4096xf32>
    %get3A_9 = arith.constant 0 : index
    %get3A_10 = arith.constant 2 : index
    %get3A_11 = arith.constant 0 : index
    %get3A_12 = vector.load %arg0[%get3A_9, %get3A_10, %get3A_11] : memref<8x3x4096xf32, #tpu.memory_space<vmem>>, vector<8x1x4096xf32>
    %get3A_13 = vector.shape_cast %get3A_12 : vector<8x1x4096xf32> to vector<8x4096xf32>
    %iota3A = tpu.iota {dimensions = array<i32: 1>} : vector<8x4096xi32>
    %iota3A_14 = tpu.iota {dimensions = array<i32: 1>} : vector<8x1024xi32>
    %broadcast_in_dim3A = arith.constant 1.000000e+10 : f32
    %broadcast_in_dim3A_15 = vector.broadcast %broadcast_in_dim3A : f32 to vector<8x4096xf32>
    %broadcast_in_dim3A_16 = arith.constant 0 : i32
    %broadcast_in_dim3A_17 = vector.broadcast %broadcast_in_dim3A_16 : i32 to vector<8x1xi32>
    %scan3A = arith.constant 0 : i32
    %scan3A_18 = arith.constant 1024 : i32
    %scan3A_19 = arith.addi %scan3A, %scan3A_18 : i32
    %scan3A_20 = arith.constant 1 : i32
    %scan3A_21:2 = scf.for %scan3A_23 = %scan3A to %scan3A_19 step %scan3A_20 iter_args(%scan3A_24 = %broadcast_in_dim3A_15, %scan3A_25 = %broadcast_in_dim3A_17) -> (vector<8x4096xf32>, vector<8x1xi32>)  : i32 {
      %eq3A = vector.broadcast %scan3A_25 : vector<8x1xi32> to vector<8x4096xi32>
      %eq3A_26 = arith.cmpi eq, %iota3A, %eq3A : vector<8x4096xi32>
      %jit3A = arith.constant 0.000000e+00 : f32
      %broadcast_in_dim3A_27 = vector.broadcast %jit3A : f32 to vector<8x4096xf32>
      %select_n3A = arith.select %eq3A_26, %get3A_3, %broadcast_in_dim3A_27 : vector<8x4096xi1>, vector<8x4096xf32>
      %reduce_sum3A = arith.constant dense<0.000000e+00> : vector<8xf32>
      %reduce_sum3A_28 = vector.multi_reduction <add>, %select_n3A, %reduce_sum3A [1] : vector<8x4096xf32> to vector<8xf32>
      %broadcast_in_dim3A_29 = vector.shape_cast %reduce_sum3A_28 : vector<8xf32> to vector<8x1xf32>
      %jit3A_30 = arith.constant 0.000000e+00 : f32
      %broadcast_in_dim3A_31 = vector.broadcast %jit3A_30 : f32 to vector<8x4096xf32>
      %select_n3A_32 = arith.select %eq3A_26, %get3A_8, %broadcast_in_dim3A_31 : vector<8x4096xi1>, vector<8x4096xf32>
      %reduce_sum3A_33 = arith.constant dense<0.000000e+00> : vector<8xf32>
      %reduce_sum3A_34 = vector.multi_reduction <add>, %select_n3A_32, %reduce_sum3A_33 [1] : vector<8x4096xf32> to vector<8xf32>
      %broadcast_in_dim3A_35 = vector.shape_cast %reduce_sum3A_34 : vector<8xf32> to vector<8x1xf32>
      %jit3A_36 = arith.constant 0.000000e+00 : f32
      %broadcast_in_dim3A_37 = vector.broadcast %jit3A_36 : f32 to vector<8x4096xf32>
      %select_n3A_38 = arith.select %eq3A_26, %get3A_13, %broadcast_in_dim3A_37 : vector<8x4096xi1>, vector<8x4096xf32>
      %reduce_sum3A_39 = arith.constant dense<0.000000e+00> : vector<8xf32>
      %reduce_sum3A_40 = vector.multi_reduction <add>, %select_n3A_38, %reduce_sum3A_39 [1] : vector<8x4096xf32> to vector<8xf32>
      %broadcast_in_dim3A_41 = vector.shape_cast %reduce_sum3A_40 : vector<8xf32> to vector<8x1xf32>
      %eq3A_42 = vector.broadcast %scan3A_23 : i32 to vector<8x1024xi32>
      %eq3A_43 = arith.cmpi eq, %iota3A_14, %eq3A_42 : vector<8x1024xi32>
      %get3A_44 = arith.constant 0 : index
      %get3A_45 = arith.constant 0 : index
      %get3A_46 = vector.load %arg1[%get3A_44, %get3A_45] : memref<8x1024xi32, #tpu.memory_space<vmem>>, vector<8x1024xi32>
      %broadcast_in_dim3A_47 = vector.shape_cast %scan3A_25 : vector<8x1xi32> to vector<8x1xi32>
      %broadcast_in_dim3A_48 = vector.broadcast %broadcast_in_dim3A_47 : vector<8x1xi32> to vector<8x1024xi32>
      %select_n3A_49 = arith.select %eq3A_43, %broadcast_in_dim3A_48, %get3A_46 : vector<8x1024xi1>, vector<8x1024xi32>
      %swap3A = arith.constant 0 : index
      %swap3A_50 = arith.constant 0 : index
      %swap3A_51 = vector.load %arg1[%swap3A, %swap3A_50] : memref<8x1024xi32, #tpu.memory_space<vmem>>, vector<8x1024xi32>
      tpu.vector_store %arg1[%swap3A, %swap3A_50], %select_n3A_49 {strides = array<i32>} : memref<8x1024xi32, #tpu.memory_space<vmem>>, vector<8x1024xi32>,
      %get3A_52 = arith.constant 0 : index
      %get3A_53 = arith.constant 0 : index
      %get3A_54 = vector.load %arg2[%get3A_52, %get3A_53] : memref<8x1024xf32, #tpu.memory_space<vmem>>, vector<8x1024xf32>
      %broadcast_in_dim3A_55 = vector.shape_cast %broadcast_in_dim3A_29 : vector<8x1xf32> to vector<8x1xf32>
      %broadcast_in_dim3A_56 = vector.broadcast %broadcast_in_dim3A_55 : vector<8x1xf32> to vector<8x1024xf32>
      %select_n3A_57 = arith.select %eq3A_43, %broadcast_in_dim3A_56, %get3A_54 : vector<8x1024xi1>, vector<8x1024xf32>
      %swap3A_58 = arith.constant 0 : index
      %swap3A_59 = arith.constant 0 : index
      %swap3A_60 = vector.load %arg2[%swap3A_58, %swap3A_59] : memref<8x1024xf32, #tpu.memory_space<vmem>>, vector<8x1024xf32>
      tpu.vector_store %arg2[%swap3A_58, %swap3A_59], %select_n3A_57 {strides = array<i32>} : memref<8x1024xf32, #tpu.memory_space<vmem>>, vector<8x1024xf32>,
      %get3A_61 = arith.constant 0 : index
      %get3A_62 = arith.constant 0 : index
      %get3A_63 = vector.load %arg3[%get3A_61, %get3A_62] : memref<8x1024xf32, #tpu.memory_space<vmem>>, vector<8x1024xf32>
      %broadcast_in_dim3A_64 = vector.shape_cast %broadcast_in_dim3A_35 : vector<8x1xf32> to vector<8x1xf32>
      %broadcast_in_dim3A_65 = vector.broadcast %broadcast_in_dim3A_64 : vector<8x1xf32> to vector<8x1024xf32>
      %select_n3A_66 = arith.select %eq3A_43, %broadcast_in_dim3A_65, %get3A_63 : vector<8x1024xi1>, vector<8x1024xf32>
      %swap3A_67 = arith.constant 0 : index
      %swap3A_68 = arith.constant 0 : index
      %swap3A_69 = vector.load %arg3[%swap3A_67, %swap3A_68] : memref<8x1024xf32, #tpu.memory_space<vmem>>, vector<8x1024xf32>
      tpu.vector_store %arg3[%swap3A_67, %swap3A_68], %select_n3A_66 {strides = array<i32>} : memref<8x1024xf32, #tpu.memory_space<vmem>>, vector<8x1024xf32>,
      %get3A_70 = arith.constant 0 : index
      %get3A_71 = arith.constant 0 : index
      %get3A_72 = vector.load %arg4[%get3A_70, %get3A_71] : memref<8x1024xf32, #tpu.memory_space<vmem>>, vector<8x1024xf32>
      %broadcast_in_dim3A_73 = vector.shape_cast %broadcast_in_dim3A_41 : vector<8x1xf32> to vector<8x1xf32>
      %broadcast_in_dim3A_74 = vector.broadcast %broadcast_in_dim3A_73 : vector<8x1xf32> to vector<8x1024xf32>
      %select_n3A_75 = arith.select %eq3A_43, %broadcast_in_dim3A_74, %get3A_72 : vector<8x1024xi1>, vector<8x1024xf32>
      %swap3A_76 = arith.constant 0 : index
      %swap3A_77 = arith.constant 0 : index
      %swap3A_78 = vector.load %arg4[%swap3A_76, %swap3A_77] : memref<8x1024xf32, #tpu.memory_space<vmem>>, vector<8x1024xf32>
      tpu.vector_store %arg4[%swap3A_76, %swap3A_77], %select_n3A_75 {strides = array<i32>} : memref<8x1024xf32, #tpu.memory_space<vmem>>, vector<8x1024xf32>,
      %sub3A = vector.broadcast %broadcast_in_dim3A_29 : vector<8x1xf32> to vector<8x4096xf32>
      %sub3A_79 = arith.subf %get3A_3, %sub3A : vector<8x4096xf32>
      %sub3A_80 = vector.broadcast %broadcast_in_dim3A_35 : vector<8x1xf32> to vector<8x4096xf32>
      %sub3A_81 = arith.subf %get3A_8, %sub3A_80 : vector<8x4096xf32>
      %sub3A_82 = vector.broadcast %broadcast_in_dim3A_41 : vector<8x1xf32> to vector<8x4096xf32>
      %sub3A_83 = arith.subf %get3A_13, %sub3A_82 : vector<8x4096xf32>
      %mul3A = arith.mulf %sub3A_79, %sub3A_79 : vector<8x4096xf32>
      %mul3A_84 = arith.mulf %sub3A_81, %sub3A_81 : vector<8x4096xf32>
      %add3A = arith.addf %mul3A, %mul3A_84 : vector<8x4096xf32>
      %mul3A_85 = arith.mulf %sub3A_83, %sub3A_83 : vector<8x4096xf32>
      %add3A_86 = arith.addf %add3A, %mul3A_85 : vector<8x4096xf32>
      %min3A = arith.minimumf %scan3A_24, %add3A_86 : vector<8x4096xf32>
      %reduce_max3A = arith.constant dense<0xFF800000> : vector<8xf32>
      %reduce_max3A_87 = vector.multi_reduction <maximumf>, %min3A, %reduce_max3A [1] : vector<8x4096xf32> to vector<8xf32>
      %broadcast_in_dim3A_88 = vector.shape_cast %reduce_max3A_87 : vector<8xf32> to vector<8x1xf32>
      %eq3A_89 = vector.broadcast %broadcast_in_dim3A_88 : vector<8x1xf32> to vector<8x4096xf32>
      %eq3A_90 = arith.cmpf oeq, %min3A, %eq3A_89 : vector<8x4096xf32>
      %jit3A_91 = arith.constant 4096 : i32
      %broadcast_in_dim3A_92 = vector.broadcast %jit3A_91 : i32 to vector<8x4096xi32>
      %select_n3A_93 = arith.select %eq3A_90, %iota3A, %broadcast_in_dim3A_92 : vector<8x4096xi1>, vector<8x4096xi32>
      %reduce_min3A = arith.constant dense<2147483647> : vector<8xi32>
      %reduce_min3A_94 = vector.multi_reduction <minsi>, %select_n3A_93, %reduce_min3A [1] : vector<8x4096xi32> to vector<8xi32>
      %broadcast_in_dim3A_95 = vector.shape_cast %reduce_min3A_94 : vector<8xi32> to vector<8x1xi32>
      scf.yield %min3A, %broadcast_in_dim3A_95 : vector<8x4096xf32>, vector<8x1xi32>
    }
    %scan3A_22 = arith.constant 1024 : i32
    return
  }
}

module attributes {stable_mosaic.version = 14 : i64} {
  func.func @_ballq_body(%arg0: i32, %arg1: i32, %arg2: memref<1x3x4096xf32, #tpu.memory_space<vmem>>, %arg3: memref<1x128x3xf32, #tpu.memory_space<vmem>>, %arg4: memref<1x128x32xi32, #tpu.memory_space<vmem>>) attributes {dimension_semantics = [#tpu.dimension_semantics<arbitrary>, #tpu.dimension_semantics<arbitrary>], iteration_bounds = array<i64: 8, 8>, scalar_prefetch = 0 : i64, scratch_operands = 0 : i64, tpu.core_type = #tpu.core_type<tc>, window_params = [{transform_indices = @transform_0, window_bounds = array<i64: 1, 3, 4096>}, {transform_indices = @transform_1, window_bounds = array<i64: 1, 128, 3>}, {transform_indices = @transform_2, window_bounds = array<i64: 1, 128, 32>}]} {
    %get3A = arith.constant 0 : index
    %get3A_0 = arith.constant 0 : index
    %get3A_1 = arith.constant 0 : index
    %get3A_2 = vector.load %arg2[%get3A, %get3A_0, %get3A_1] : memref<1x3x4096xf32, #tpu.memory_space<vmem>>, vector<1x1x4096xf32>
    %get3A_3 = vector.shape_cast %get3A_2 : vector<1x1x4096xf32> to vector<4096xf32>
    %reshape3A = vector.shape_cast %get3A_3 : vector<4096xf32> to vector<1x4096xf32>
    %get3A_4 = arith.constant 0 : index
    %get3A_5 = arith.constant 1 : index
    %get3A_6 = arith.constant 0 : index
    %get3A_7 = vector.load %arg2[%get3A_4, %get3A_5, %get3A_6] : memref<1x3x4096xf32, #tpu.memory_space<vmem>>, vector<1x1x4096xf32>
    %get3A_8 = vector.shape_cast %get3A_7 : vector<1x1x4096xf32> to vector<4096xf32>
    %reshape3A_9 = vector.shape_cast %get3A_8 : vector<4096xf32> to vector<1x4096xf32>
    %get3A_10 = arith.constant 0 : index
    %get3A_11 = arith.constant 2 : index
    %get3A_12 = arith.constant 0 : index
    %get3A_13 = vector.load %arg2[%get3A_10, %get3A_11, %get3A_12] : memref<1x3x4096xf32, #tpu.memory_space<vmem>>, vector<1x1x4096xf32>
    %get3A_14 = vector.shape_cast %get3A_13 : vector<1x1x4096xf32> to vector<4096xf32>
    %reshape3A_15 = vector.shape_cast %get3A_14 : vector<4096xf32> to vector<1x4096xf32>
    %get3A_16 = arith.constant 0 : index
    %get3A_17 = arith.constant 0 : index
    %get3A_18 = arith.constant 0 : index
    %get3A_19 = vector.load %arg3[%get3A_16, %get3A_17, %get3A_18] : memref<1x128x3xf32, #tpu.memory_space<vmem>>, vector<1x128x3xf32>
    %get3A_20 = vector.shape_cast %get3A_19 : vector<1x128x3xf32> to vector<128x3xf32>
    %slice3A = vector.extract_strided_slice %get3A_20 {offsets = [0, 0], sizes = [128, 1], strides = [1, 1]} : vector<128x3xf32> to vector<128x1xf32>
    %slice3A_21 = vector.extract_strided_slice %get3A_20 {offsets = [0, 1], sizes = [128, 1], strides = [1, 1]} : vector<128x3xf32> to vector<128x1xf32>
    %slice3A_22 = vector.extract_strided_slice %get3A_20 {offsets = [0, 2], sizes = [128, 1], strides = [1, 1]} : vector<128x3xf32> to vector<128x1xf32>
    %sub3A = vector.broadcast %slice3A : vector<128x1xf32> to vector<128x4096xf32>
    %sub3A_23 = vector.broadcast %reshape3A : vector<1x4096xf32> to vector<128x4096xf32>
    %sub3A_24 = arith.subf %sub3A, %sub3A_23 : vector<128x4096xf32>
    %sub3A_25 = vector.broadcast %slice3A_21 : vector<128x1xf32> to vector<128x4096xf32>
    %sub3A_26 = vector.broadcast %reshape3A_9 : vector<1x4096xf32> to vector<128x4096xf32>
    %sub3A_27 = arith.subf %sub3A_25, %sub3A_26 : vector<128x4096xf32>
    %sub3A_28 = vector.broadcast %slice3A_22 : vector<128x1xf32> to vector<128x4096xf32>
    %sub3A_29 = vector.broadcast %reshape3A_15 : vector<1x4096xf32> to vector<128x4096xf32>
    %sub3A_30 = arith.subf %sub3A_28, %sub3A_29 : vector<128x4096xf32>
    %mul3A = arith.mulf %sub3A_24, %sub3A_24 : vector<128x4096xf32>
    %mul3A_31 = arith.mulf %sub3A_27, %sub3A_27 : vector<128x4096xf32>
    %add3A = arith.addf %mul3A, %mul3A_31 : vector<128x4096xf32>
    %mul3A_32 = arith.mulf %sub3A_30, %sub3A_30 : vector<128x4096xf32>
    %add3A_33 = arith.addf %add3A, %mul3A_32 : vector<128x4096xf32>
    %le3A = arith.constant 4.000000e-02 : f32
    %le3A_34 = vector.broadcast %le3A : f32 to vector<128x4096xf32>
    %le3A_35 = arith.cmpf ole, %add3A_33, %le3A_34 : vector<128x4096xf32>
    %iota3A = tpu.iota {dimensions = array<i32: 1>} : vector<128x4096xi32>
    %convert_element_type3A = arith.extui %le3A_35 : vector<128x4096xi1> to vector<128x4096xi32>
    %convert_element_type3A_36 = arith.sitofp %convert_element_type3A : vector<128x4096xi32> to vector<128x4096xf32>
    %reshape3A_37 = vector.shape_cast %convert_element_type3A_36 : vector<128x4096xf32> to vector<4096x128xf32>
    %iota3A_38 = tpu.iota {dimensions = array<i32: 0>} : vector<128x128xi32>
    %iota3A_39 = tpu.iota {dimensions = array<i32: 1>} : vector<128x128xi32>
    %le3A_40 = arith.cmpi sle, %iota3A_38, %iota3A_39 : vector<128x128xi32>
    %convert_element_type3A_41 = arith.extui %le3A_40 : vector<128x128xi1> to vector<128x128xi32>
    %convert_element_type3A_42 = arith.sitofp %convert_element_type3A_41 : vector<128x128xi32> to vector<128x128xf32>
    %dot_general3A = arith.constant dense<0.000000e+00> : vector<4096x128xf32>
    %dot_general3A_43 = tpu.matmul %reshape3A_37, %convert_element_type3A_42, %dot_general3A {dimension_numbers = #tpu.dot_dimension_numbers<[1], [0], [0], [1], [0, 0, 1, 1], [], []>, transpose_lhs_hint = false} : vector<4096x128xf32>, vector<128x128xf32>, vector<4096x128xf32> -> vector<4096x128xf32>
    %reshape3A_44 = vector.shape_cast %dot_general3A_43 : vector<4096x128xf32> to vector<128x32x128xf32>
    %slice3A_45 = vector.extract_strided_slice %reshape3A_44 {offsets = [0, 0, 127], sizes = [128, 32, 1], strides = [1, 1, 1]} : vector<128x32x128xf32> to vector<128x32x1xf32>
    %squeeze3A = vector.shape_cast %slice3A_45 : vector<128x32x1xf32> to vector<128x32xf32>
    %iota3A_46 = tpu.iota {dimensions = array<i32: 0>} : vector<32x32xi32>
    %iota3A_47 = tpu.iota {dimensions = array<i32: 1>} : vector<32x32xi32>
    %lt3A = arith.cmpi slt, %iota3A_46, %iota3A_47 : vector<32x32xi32>
    %convert_element_type3A_48 = arith.extui %lt3A : vector<32x32xi1> to vector<32x32xi32>
    %convert_element_type3A_49 = arith.sitofp %convert_element_type3A_48 : vector<32x32xi32> to vector<32x32xf32>
    %dot_general3A_50 = arith.constant dense<0.000000e+00> : vector<128x32xf32>
    %dot_general3A_51 = tpu.matmul %squeeze3A, %convert_element_type3A_49, %dot_general3A_50 {dimension_numbers = #tpu.dot_dimension_numbers<[1], [0], [0], [1], [0, 0, 1, 1], [], []>, transpose_lhs_hint = false} : vector<128x32xf32>, vector<32x32xf32>, vector<128x32xf32> -> vector<128x32xf32>
    %reshape3A_52 = vector.shape_cast %dot_general3A_51 : vector<128x32xf32> to vector<128x32x1xf32>
    %add3A_53 = vector.broadcast %reshape3A_52 : vector<128x32x1xf32> to vector<128x32x128xf32>
    %add3A_54 = arith.addf %reshape3A_44, %add3A_53 : vector<128x32x128xf32>
    %reshape3A_55 = vector.shape_cast %add3A_54 : vector<128x32x128xf32> to vector<128x4096xf32>
    %reshape3A_56 = vector.shape_cast %reshape3A_37 : vector<4096x128xf32> to vector<128x4096xf32>
    %mul3A_57 = arith.mulf %reshape3A_55, %reshape3A_56 : vector<128x4096xf32>
    %eq3A = arith.constant 1.000000e+00 : f32
    %eq3A_58 = vector.broadcast %eq3A : f32 to vector<128x4096xf32>
    %eq3A_59 = arith.cmpf oeq, %mul3A_57, %eq3A_58 : vector<128x4096xf32>
    %jit3A = arith.constant 4096 : i32
    %broadcast_in_dim3A = vector.broadcast %jit3A : i32 to vector<128x4096xi32>
    %select_n3A = arith.select %eq3A_59, %iota3A, %broadcast_in_dim3A : vector<128x4096xi1>, vector<128x4096xi32>
    %reduce_min3A = arith.constant dense<2147483647> : vector<128xi32>
    %reduce_min3A_60 = vector.multi_reduction <minsi>, %select_n3A, %reduce_min3A [1] : vector<128x4096xi32> to vector<128xi32>
    %broadcast_in_dim3A_61 = vector.shape_cast %reduce_min3A_60 : vector<128xi32> to vector<128x1xi32>
    %eq3A_62 = arith.constant 2.000000e+00 : f32
    %eq3A_63 = vector.broadcast %eq3A_62 : f32 to vector<128x4096xf32>
    %eq3A_64 = arith.cmpf oeq, %mul3A_57, %eq3A_63 : vector<128x4096xf32>
    %jit3A_65 = arith.constant 4096 : i32
    %broadcast_in_dim3A_66 = vector.broadcast %jit3A_65 : i32 to vector<128x4096xi32>
    %select_n3A_67 = arith.select %eq3A_64, %iota3A, %broadcast_in_dim3A_66 : vector<128x4096xi1>, vector<128x4096xi32>
    %reduce_min3A_68 = arith.constant dense<2147483647> : vector<128xi32>
    %reduce_min3A_69 = vector.multi_reduction <minsi>, %select_n3A_67, %reduce_min3A_68 [1] : vector<128x4096xi32> to vector<128xi32>
    %broadcast_in_dim3A_70 = vector.shape_cast %reduce_min3A_69 : vector<128xi32> to vector<128x1xi32>
    %eq3A_71 = arith.constant 3.000000e+00 : f32
    %eq3A_72 = vector.broadcast %eq3A_71 : f32 to vector<128x4096xf32>
    %eq3A_73 = arith.cmpf oeq, %mul3A_57, %eq3A_72 : vector<128x4096xf32>
    %jit3A_74 = arith.constant 4096 : i32
    %broadcast_in_dim3A_75 = vector.broadcast %jit3A_74 : i32 to vector<128x4096xi32>
    %select_n3A_76 = arith.select %eq3A_73, %iota3A, %broadcast_in_dim3A_75 : vector<128x4096xi1>, vector<128x4096xi32>
    %reduce_min3A_77 = arith.constant dense<2147483647> : vector<128xi32>
    %reduce_min3A_78 = vector.multi_reduction <minsi>, %select_n3A_76, %reduce_min3A_77 [1] : vector<128x4096xi32> to vector<128xi32>
    %broadcast_in_dim3A_79 = vector.shape_cast %reduce_min3A_78 : vector<128xi32> to vector<128x1xi32>
    %eq3A_80 = arith.constant 4.000000e+00 : f32
    %eq3A_81 = vector.broadcast %eq3A_80 : f32 to vector<128x4096xf32>
    %eq3A_82 = arith.cmpf oeq, %mul3A_57, %eq3A_81 : vector<128x4096xf32>
    %jit3A_83 = arith.constant 4096 : i32
    %broadcast_in_dim3A_84 = vector.broadcast %jit3A_83 : i32 to vector<128x4096xi32>
    %select_n3A_85 = arith.select %eq3A_82, %iota3A, %broadcast_in_dim3A_84 : vector<128x4096xi1>, vector<128x4096xi32>
    %reduce_min3A_86 = arith.constant dense<2147483647> : vector<128xi32>
    %reduce_min3A_87 = vector.multi_reduction <minsi>, %select_n3A_85, %reduce_min3A_86 [1] : vector<128x4096xi32> to vector<128xi32>
    %broadcast_in_dim3A_88 = vector.shape_cast %reduce_min3A_87 : vector<128xi32> to vector<128x1xi32>
    %eq3A_89 = arith.constant 5.000000e+00 : f32
    %eq3A_90 = vector.broadcast %eq3A_89 : f32 to vector<128x4096xf32>
    %eq3A_91 = arith.cmpf oeq, %mul3A_57, %eq3A_90 : vector<128x4096xf32>
    %jit3A_92 = arith.constant 4096 : i32
    %broadcast_in_dim3A_93 = vector.broadcast %jit3A_92 : i32 to vector<128x4096xi32>
    %select_n3A_94 = arith.select %eq3A_91, %iota3A, %broadcast_in_dim3A_93 : vector<128x4096xi1>, vector<128x4096xi32>
    %reduce_min3A_95 = arith.constant dense<2147483647> : vector<128xi32>
    %reduce_min3A_96 = vector.multi_reduction <minsi>, %select_n3A_94, %reduce_min3A_95 [1] : vector<128x4096xi32> to vector<128xi32>
    %broadcast_in_dim3A_97 = vector.shape_cast %reduce_min3A_96 : vector<128xi32> to vector<128x1xi32>
    %eq3A_98 = arith.constant 6.000000e+00 : f32
    %eq3A_99 = vector.broadcast %eq3A_98 : f32 to vector<128x4096xf32>
    %eq3A_100 = arith.cmpf oeq, %mul3A_57, %eq3A_99 : vector<128x4096xf32>
    %jit3A_101 = arith.constant 4096 : i32
    %broadcast_in_dim3A_102 = vector.broadcast %jit3A_101 : i32 to vector<128x4096xi32>
    %select_n3A_103 = arith.select %eq3A_100, %iota3A, %broadcast_in_dim3A_102 : vector<128x4096xi1>, vector<128x4096xi32>
    %reduce_min3A_104 = arith.constant dense<2147483647> : vector<128xi32>
    %reduce_min3A_105 = vector.multi_reduction <minsi>, %select_n3A_103, %reduce_min3A_104 [1] : vector<128x4096xi32> to vector<128xi32>
    %broadcast_in_dim3A_106 = vector.shape_cast %reduce_min3A_105 : vector<128xi32> to vector<128x1xi32>
    %eq3A_107 = arith.constant 7.000000e+00 : f32
    %eq3A_108 = vector.broadcast %eq3A_107 : f32 to vector<128x4096xf32>
    %eq3A_109 = arith.cmpf oeq, %mul3A_57, %eq3A_108 : vector<128x4096xf32>
    %jit3A_110 = arith.constant 4096 : i32
    %broadcast_in_dim3A_111 = vector.broadcast %jit3A_110 : i32 to vector<128x4096xi32>
    %select_n3A_112 = arith.select %eq3A_109, %iota3A, %broadcast_in_dim3A_111 : vector<128x4096xi1>, vector<128x4096xi32>
    %reduce_min3A_113 = arith.constant dense<2147483647> : vector<128xi32>
    %reduce_min3A_114 = vector.multi_reduction <minsi>, %select_n3A_112, %reduce_min3A_113 [1] : vector<128x4096xi32> to vector<128xi32>
    %broadcast_in_dim3A_115 = vector.shape_cast %reduce_min3A_114 : vector<128xi32> to vector<128x1xi32>
    %eq3A_116 = arith.constant 8.000000e+00 : f32
    %eq3A_117 = vector.broadcast %eq3A_116 : f32 to vector<128x4096xf32>
    %eq3A_118 = arith.cmpf oeq, %mul3A_57, %eq3A_117 : vector<128x4096xf32>
    %jit3A_119 = arith.constant 4096 : i32
    %broadcast_in_dim3A_120 = vector.broadcast %jit3A_119 : i32 to vector<128x4096xi32>
    %select_n3A_121 = arith.select %eq3A_118, %iota3A, %broadcast_in_dim3A_120 : vector<128x4096xi1>, vector<128x4096xi32>
    %reduce_min3A_122 = arith.constant dense<2147483647> : vector<128xi32>
    %reduce_min3A_123 = vector.multi_reduction <minsi>, %select_n3A_121, %reduce_min3A_122 [1] : vector<128x4096xi32> to vector<128xi32>
    %broadcast_in_dim3A_124 = vector.shape_cast %reduce_min3A_123 : vector<128xi32> to vector<128x1xi32>
    %eq3A_125 = arith.constant 9.000000e+00 : f32
    %eq3A_126 = vector.broadcast %eq3A_125 : f32 to vector<128x4096xf32>
    %eq3A_127 = arith.cmpf oeq, %mul3A_57, %eq3A_126 : vector<128x4096xf32>
    %jit3A_128 = arith.constant 4096 : i32
    %broadcast_in_dim3A_129 = vector.broadcast %jit3A_128 : i32 to vector<128x4096xi32>
    %select_n3A_130 = arith.select %eq3A_127, %iota3A, %broadcast_in_dim3A_129 : vector<128x4096xi1>, vector<128x4096xi32>
    %reduce_min3A_131 = arith.constant dense<2147483647> : vector<128xi32>
    %reduce_min3A_132 = vector.multi_reduction <minsi>, %select_n3A_130, %reduce_min3A_131 [1] : vector<128x4096xi32> to vector<128xi32>
    %broadcast_in_dim3A_133 = vector.shape_cast %reduce_min3A_132 : vector<128xi32> to vector<128x1xi32>
    %eq3A_134 = arith.constant 1.000000e+01 : f32
    %eq3A_135 = vector.broadcast %eq3A_134 : f32 to vector<128x4096xf32>
    %eq3A_136 = arith.cmpf oeq, %mul3A_57, %eq3A_135 : vector<128x4096xf32>
    %jit3A_137 = arith.constant 4096 : i32
    %broadcast_in_dim3A_138 = vector.broadcast %jit3A_137 : i32 to vector<128x4096xi32>
    %select_n3A_139 = arith.select %eq3A_136, %iota3A, %broadcast_in_dim3A_138 : vector<128x4096xi1>, vector<128x4096xi32>
    %reduce_min3A_140 = arith.constant dense<2147483647> : vector<128xi32>
    %reduce_min3A_141 = vector.multi_reduction <minsi>, %select_n3A_139, %reduce_min3A_140 [1] : vector<128x4096xi32> to vector<128xi32>
    %broadcast_in_dim3A_142 = vector.shape_cast %reduce_min3A_141 : vector<128xi32> to vector<128x1xi32>
    %eq3A_143 = arith.constant 1.100000e+01 : f32
    %eq3A_144 = vector.broadcast %eq3A_143 : f32 to vector<128x4096xf32>
    %eq3A_145 = arith.cmpf oeq, %mul3A_57, %eq3A_144 : vector<128x4096xf32>
    %jit3A_146 = arith.constant 4096 : i32
    %broadcast_in_dim3A_147 = vector.broadcast %jit3A_146 : i32 to vector<128x4096xi32>
    %select_n3A_148 = arith.select %eq3A_145, %iota3A, %broadcast_in_dim3A_147 : vector<128x4096xi1>, vector<128x4096xi32>
    %reduce_min3A_149 = arith.constant dense<2147483647> : vector<128xi32>
    %reduce_min3A_150 = vector.multi_reduction <minsi>, %select_n3A_148, %reduce_min3A_149 [1] : vector<128x4096xi32> to vector<128xi32>
    %broadcast_in_dim3A_151 = vector.shape_cast %reduce_min3A_150 : vector<128xi32> to vector<128x1xi32>
    %eq3A_152 = arith.constant 1.200000e+01 : f32
    %eq3A_153 = vector.broadcast %eq3A_152 : f32 to vector<128x4096xf32>
    %eq3A_154 = arith.cmpf oeq, %mul3A_57, %eq3A_153 : vector<128x4096xf32>
    %jit3A_155 = arith.constant 4096 : i32
    %broadcast_in_dim3A_156 = vector.broadcast %jit3A_155 : i32 to vector<128x4096xi32>
    %select_n3A_157 = arith.select %eq3A_154, %iota3A, %broadcast_in_dim3A_156 : vector<128x4096xi1>, vector<128x4096xi32>
    %reduce_min3A_158 = arith.constant dense<2147483647> : vector<128xi32>
    %reduce_min3A_159 = vector.multi_reduction <minsi>, %select_n3A_157, %reduce_min3A_158 [1] : vector<128x4096xi32> to vector<128xi32>
    %broadcast_in_dim3A_160 = vector.shape_cast %reduce_min3A_159 : vector<128xi32> to vector<128x1xi32>
    %eq3A_161 = arith.constant 1.300000e+01 : f32
    %eq3A_162 = vector.broadcast %eq3A_161 : f32 to vector<128x4096xf32>
    %eq3A_163 = arith.cmpf oeq, %mul3A_57, %eq3A_162 : vector<128x4096xf32>
    %jit3A_164 = arith.constant 4096 : i32
    %broadcast_in_dim3A_165 = vector.broadcast %jit3A_164 : i32 to vector<128x4096xi32>
    %select_n3A_166 = arith.select %eq3A_163, %iota3A, %broadcast_in_dim3A_165 : vector<128x4096xi1>, vector<128x4096xi32>
    %reduce_min3A_167 = arith.constant dense<2147483647> : vector<128xi32>
    %reduce_min3A_168 = vector.multi_reduction <minsi>, %select_n3A_166, %reduce_min3A_167 [1] : vector<128x4096xi32> to vector<128xi32>
    %broadcast_in_dim3A_169 = vector.shape_cast %reduce_min3A_168 : vector<128xi32> to vector<128x1xi32>
    %eq3A_170 = arith.constant 1.400000e+01 : f32
    %eq3A_171 = vector.broadcast %eq3A_170 : f32 to vector<128x4096xf32>
    %eq3A_172 = arith.cmpf oeq, %mul3A_57, %eq3A_171 : vector<128x4096xf32>
    %jit3A_173 = arith.constant 4096 : i32
    %broadcast_in_dim3A_174 = vector.broadcast %jit3A_173 : i32 to vector<128x4096xi32>
    %select_n3A_175 = arith.select %eq3A_172, %iota3A, %broadcast_in_dim3A_174 : vector<128x4096xi1>, vector<128x4096xi32>
    %reduce_min3A_176 = arith.constant dense<2147483647> : vector<128xi32>
    %reduce_min3A_177 = vector.multi_reduction <minsi>, %select_n3A_175, %reduce_min3A_176 [1] : vector<128x4096xi32> to vector<128xi32>
    %broadcast_in_dim3A_178 = vector.shape_cast %reduce_min3A_177 : vector<128xi32> to vector<128x1xi32>
    %eq3A_179 = arith.constant 1.500000e+01 : f32
    %eq3A_180 = vector.broadcast %eq3A_179 : f32 to vector<128x4096xf32>
    %eq3A_181 = arith.cmpf oeq, %mul3A_57, %eq3A_180 : vector<128x4096xf32>
    %jit3A_182 = arith.constant 4096 : i32
    %broadcast_in_dim3A_183 = vector.broadcast %jit3A_182 : i32 to vector<128x4096xi32>
    %select_n3A_184 = arith.select %eq3A_181, %iota3A, %broadcast_in_dim3A_183 : vector<128x4096xi1>, vector<128x4096xi32>
    %reduce_min3A_185 = arith.constant dense<2147483647> : vector<128xi32>
    %reduce_min3A_186 = vector.multi_reduction <minsi>, %select_n3A_184, %reduce_min3A_185 [1] : vector<128x4096xi32> to vector<128xi32>
    %broadcast_in_dim3A_187 = vector.shape_cast %reduce_min3A_186 : vector<128xi32> to vector<128x1xi32>
    %eq3A_188 = arith.constant 1.600000e+01 : f32
    %eq3A_189 = vector.broadcast %eq3A_188 : f32 to vector<128x4096xf32>
    %eq3A_190 = arith.cmpf oeq, %mul3A_57, %eq3A_189 : vector<128x4096xf32>
    %jit3A_191 = arith.constant 4096 : i32
    %broadcast_in_dim3A_192 = vector.broadcast %jit3A_191 : i32 to vector<128x4096xi32>
    %select_n3A_193 = arith.select %eq3A_190, %iota3A, %broadcast_in_dim3A_192 : vector<128x4096xi1>, vector<128x4096xi32>
    %reduce_min3A_194 = arith.constant dense<2147483647> : vector<128xi32>
    %reduce_min3A_195 = vector.multi_reduction <minsi>, %select_n3A_193, %reduce_min3A_194 [1] : vector<128x4096xi32> to vector<128xi32>
    %broadcast_in_dim3A_196 = vector.shape_cast %reduce_min3A_195 : vector<128xi32> to vector<128x1xi32>
    %eq3A_197 = arith.constant 1.700000e+01 : f32
    %eq3A_198 = vector.broadcast %eq3A_197 : f32 to vector<128x4096xf32>
    %eq3A_199 = arith.cmpf oeq, %mul3A_57, %eq3A_198 : vector<128x4096xf32>
    %jit3A_200 = arith.constant 4096 : i32
    %broadcast_in_dim3A_201 = vector.broadcast %jit3A_200 : i32 to vector<128x4096xi32>
    %select_n3A_202 = arith.select %eq3A_199, %iota3A, %broadcast_in_dim3A_201 : vector<128x4096xi1>, vector<128x4096xi32>
    %reduce_min3A_203 = arith.constant dense<2147483647> : vector<128xi32>
    %reduce_min3A_204 = vector.multi_reduction <minsi>, %select_n3A_202, %reduce_min3A_203 [1] : vector<128x4096xi32> to vector<128xi32>
    %broadcast_in_dim3A_205 = vector.shape_cast %reduce_min3A_204 : vector<128xi32> to vector<128x1xi32>
    %eq3A_206 = arith.constant 1.800000e+01 : f32
    %eq3A_207 = vector.broadcast %eq3A_206 : f32 to vector<128x4096xf32>
    %eq3A_208 = arith.cmpf oeq, %mul3A_57, %eq3A_207 : vector<128x4096xf32>
    %jit3A_209 = arith.constant 4096 : i32
    %broadcast_in_dim3A_210 = vector.broadcast %jit3A_209 : i32 to vector<128x4096xi32>
    %select_n3A_211 = arith.select %eq3A_208, %iota3A, %broadcast_in_dim3A_210 : vector<128x4096xi1>, vector<128x4096xi32>
    %reduce_min3A_212 = arith.constant dense<2147483647> : vector<128xi32>
    %reduce_min3A_213 = vector.multi_reduction <minsi>, %select_n3A_211, %reduce_min3A_212 [1] : vector<128x4096xi32> to vector<128xi32>
    %broadcast_in_dim3A_214 = vector.shape_cast %reduce_min3A_213 : vector<128xi32> to vector<128x1xi32>
    %eq3A_215 = arith.constant 1.900000e+01 : f32
    %eq3A_216 = vector.broadcast %eq3A_215 : f32 to vector<128x4096xf32>
    %eq3A_217 = arith.cmpf oeq, %mul3A_57, %eq3A_216 : vector<128x4096xf32>
    %jit3A_218 = arith.constant 4096 : i32
    %broadcast_in_dim3A_219 = vector.broadcast %jit3A_218 : i32 to vector<128x4096xi32>
    %select_n3A_220 = arith.select %eq3A_217, %iota3A, %broadcast_in_dim3A_219 : vector<128x4096xi1>, vector<128x4096xi32>
    %reduce_min3A_221 = arith.constant dense<2147483647> : vector<128xi32>
    %reduce_min3A_222 = vector.multi_reduction <minsi>, %select_n3A_220, %reduce_min3A_221 [1] : vector<128x4096xi32> to vector<128xi32>
    %broadcast_in_dim3A_223 = vector.shape_cast %reduce_min3A_222 : vector<128xi32> to vector<128x1xi32>
    %eq3A_224 = arith.constant 2.000000e+01 : f32
    %eq3A_225 = vector.broadcast %eq3A_224 : f32 to vector<128x4096xf32>
    %eq3A_226 = arith.cmpf oeq, %mul3A_57, %eq3A_225 : vector<128x4096xf32>
    %jit3A_227 = arith.constant 4096 : i32
    %broadcast_in_dim3A_228 = vector.broadcast %jit3A_227 : i32 to vector<128x4096xi32>
    %select_n3A_229 = arith.select %eq3A_226, %iota3A, %broadcast_in_dim3A_228 : vector<128x4096xi1>, vector<128x4096xi32>
    %reduce_min3A_230 = arith.constant dense<2147483647> : vector<128xi32>
    %reduce_min3A_231 = vector.multi_reduction <minsi>, %select_n3A_229, %reduce_min3A_230 [1] : vector<128x4096xi32> to vector<128xi32>
    %broadcast_in_dim3A_232 = vector.shape_cast %reduce_min3A_231 : vector<128xi32> to vector<128x1xi32>
    %eq3A_233 = arith.constant 2.100000e+01 : f32
    %eq3A_234 = vector.broadcast %eq3A_233 : f32 to vector<128x4096xf32>
    %eq3A_235 = arith.cmpf oeq, %mul3A_57, %eq3A_234 : vector<128x4096xf32>
    %jit3A_236 = arith.constant 4096 : i32
    %broadcast_in_dim3A_237 = vector.broadcast %jit3A_236 : i32 to vector<128x4096xi32>
    %select_n3A_238 = arith.select %eq3A_235, %iota3A, %broadcast_in_dim3A_237 : vector<128x4096xi1>, vector<128x4096xi32>
    %reduce_min3A_239 = arith.constant dense<2147483647> : vector<128xi32>
    %reduce_min3A_240 = vector.multi_reduction <minsi>, %select_n3A_238, %reduce_min3A_239 [1] : vector<128x4096xi32> to vector<128xi32>
    %broadcast_in_dim3A_241 = vector.shape_cast %reduce_min3A_240 : vector<128xi32> to vector<128x1xi32>
    %eq3A_242 = arith.constant 2.200000e+01 : f32
    %eq3A_243 = vector.broadcast %eq3A_242 : f32 to vector<128x4096xf32>
    %eq3A_244 = arith.cmpf oeq, %mul3A_57, %eq3A_243 : vector<128x4096xf32>
    %jit3A_245 = arith.constant 4096 : i32
    %broadcast_in_dim3A_246 = vector.broadcast %jit3A_245 : i32 to vector<128x4096xi32>
    %select_n3A_247 = arith.select %eq3A_244, %iota3A, %broadcast_in_dim3A_246 : vector<128x4096xi1>, vector<128x4096xi32>
    %reduce_min3A_248 = arith.constant dense<2147483647> : vector<128xi32>
    %reduce_min3A_249 = vector.multi_reduction <minsi>, %select_n3A_247, %reduce_min3A_248 [1] : vector<128x4096xi32> to vector<128xi32>
    %broadcast_in_dim3A_250 = vector.shape_cast %reduce_min3A_249 : vector<128xi32> to vector<128x1xi32>
    %eq3A_251 = arith.constant 2.300000e+01 : f32
    %eq3A_252 = vector.broadcast %eq3A_251 : f32 to vector<128x4096xf32>
    %eq3A_253 = arith.cmpf oeq, %mul3A_57, %eq3A_252 : vector<128x4096xf32>
    %jit3A_254 = arith.constant 4096 : i32
    %broadcast_in_dim3A_255 = vector.broadcast %jit3A_254 : i32 to vector<128x4096xi32>
    %select_n3A_256 = arith.select %eq3A_253, %iota3A, %broadcast_in_dim3A_255 : vector<128x4096xi1>, vector<128x4096xi32>
    %reduce_min3A_257 = arith.constant dense<2147483647> : vector<128xi32>
    %reduce_min3A_258 = vector.multi_reduction <minsi>, %select_n3A_256, %reduce_min3A_257 [1] : vector<128x4096xi32> to vector<128xi32>
    %broadcast_in_dim3A_259 = vector.shape_cast %reduce_min3A_258 : vector<128xi32> to vector<128x1xi32>
    %eq3A_260 = arith.constant 2.400000e+01 : f32
    %eq3A_261 = vector.broadcast %eq3A_260 : f32 to vector<128x4096xf32>
    %eq3A_262 = arith.cmpf oeq, %mul3A_57, %eq3A_261 : vector<128x4096xf32>
    %jit3A_263 = arith.constant 4096 : i32
    %broadcast_in_dim3A_264 = vector.broadcast %jit3A_263 : i32 to vector<128x4096xi32>
    %select_n3A_265 = arith.select %eq3A_262, %iota3A, %broadcast_in_dim3A_264 : vector<128x4096xi1>, vector<128x4096xi32>
    %reduce_min3A_266 = arith.constant dense<2147483647> : vector<128xi32>
    %reduce_min3A_267 = vector.multi_reduction <minsi>, %select_n3A_265, %reduce_min3A_266 [1] : vector<128x4096xi32> to vector<128xi32>
    %broadcast_in_dim3A_268 = vector.shape_cast %reduce_min3A_267 : vector<128xi32> to vector<128x1xi32>
    %eq3A_269 = arith.constant 2.500000e+01 : f32
    %eq3A_270 = vector.broadcast %eq3A_269 : f32 to vector<128x4096xf32>
    %eq3A_271 = arith.cmpf oeq, %mul3A_57, %eq3A_270 : vector<128x4096xf32>
    %jit3A_272 = arith.constant 4096 : i32
    %broadcast_in_dim3A_273 = vector.broadcast %jit3A_272 : i32 to vector<128x4096xi32>
    %select_n3A_274 = arith.select %eq3A_271, %iota3A, %broadcast_in_dim3A_273 : vector<128x4096xi1>, vector<128x4096xi32>
    %reduce_min3A_275 = arith.constant dense<2147483647> : vector<128xi32>
    %reduce_min3A_276 = vector.multi_reduction <minsi>, %select_n3A_274, %reduce_min3A_275 [1] : vector<128x4096xi32> to vector<128xi32>
    %broadcast_in_dim3A_277 = vector.shape_cast %reduce_min3A_276 : vector<128xi32> to vector<128x1xi32>
    %eq3A_278 = arith.constant 2.600000e+01 : f32
    %eq3A_279 = vector.broadcast %eq3A_278 : f32 to vector<128x4096xf32>
    %eq3A_280 = arith.cmpf oeq, %mul3A_57, %eq3A_279 : vector<128x4096xf32>
    %jit3A_281 = arith.constant 4096 : i32
    %broadcast_in_dim3A_282 = vector.broadcast %jit3A_281 : i32 to vector<128x4096xi32>
    %select_n3A_283 = arith.select %eq3A_280, %iota3A, %broadcast_in_dim3A_282 : vector<128x4096xi1>, vector<128x4096xi32>
    %reduce_min3A_284 = arith.constant dense<2147483647> : vector<128xi32>
    %reduce_min3A_285 = vector.multi_reduction <minsi>, %select_n3A_283, %reduce_min3A_284 [1] : vector<128x4096xi32> to vector<128xi32>
    %broadcast_in_dim3A_286 = vector.shape_cast %reduce_min3A_285 : vector<128xi32> to vector<128x1xi32>
    %eq3A_287 = arith.constant 2.700000e+01 : f32
    %eq3A_288 = vector.broadcast %eq3A_287 : f32 to vector<128x4096xf32>
    %eq3A_289 = arith.cmpf oeq, %mul3A_57, %eq3A_288 : vector<128x4096xf32>
    %jit3A_290 = arith.constant 4096 : i32
    %broadcast_in_dim3A_291 = vector.broadcast %jit3A_290 : i32 to vector<128x4096xi32>
    %select_n3A_292 = arith.select %eq3A_289, %iota3A, %broadcast_in_dim3A_291 : vector<128x4096xi1>, vector<128x4096xi32>
    %reduce_min3A_293 = arith.constant dense<2147483647> : vector<128xi32>
    %reduce_min3A_294 = vector.multi_reduction <minsi>, %select_n3A_292, %reduce_min3A_293 [1] : vector<128x4096xi32> to vector<128xi32>
    %broadcast_in_dim3A_295 = vector.shape_cast %reduce_min3A_294 : vector<128xi32> to vector<128x1xi32>
    %eq3A_296 = arith.constant 2.800000e+01 : f32
    %eq3A_297 = vector.broadcast %eq3A_296 : f32 to vector<128x4096xf32>
    %eq3A_298 = arith.cmpf oeq, %mul3A_57, %eq3A_297 : vector<128x4096xf32>
    %jit3A_299 = arith.constant 4096 : i32
    %broadcast_in_dim3A_300 = vector.broadcast %jit3A_299 : i32 to vector<128x4096xi32>
    %select_n3A_301 = arith.select %eq3A_298, %iota3A, %broadcast_in_dim3A_300 : vector<128x4096xi1>, vector<128x4096xi32>
    %reduce_min3A_302 = arith.constant dense<2147483647> : vector<128xi32>
    %reduce_min3A_303 = vector.multi_reduction <minsi>, %select_n3A_301, %reduce_min3A_302 [1] : vector<128x4096xi32> to vector<128xi32>
    %broadcast_in_dim3A_304 = vector.shape_cast %reduce_min3A_303 : vector<128xi32> to vector<128x1xi32>
    %eq3A_305 = arith.constant 2.900000e+01 : f32
    %eq3A_306 = vector.broadcast %eq3A_305 : f32 to vector<128x4096xf32>
    %eq3A_307 = arith.cmpf oeq, %mul3A_57, %eq3A_306 : vector<128x4096xf32>
    %jit3A_308 = arith.constant 4096 : i32
    %broadcast_in_dim3A_309 = vector.broadcast %jit3A_308 : i32 to vector<128x4096xi32>
    %select_n3A_310 = arith.select %eq3A_307, %iota3A, %broadcast_in_dim3A_309 : vector<128x4096xi1>, vector<128x4096xi32>
    %reduce_min3A_311 = arith.constant dense<2147483647> : vector<128xi32>
    %reduce_min3A_312 = vector.multi_reduction <minsi>, %select_n3A_310, %reduce_min3A_311 [1] : vector<128x4096xi32> to vector<128xi32>
    %broadcast_in_dim3A_313 = vector.shape_cast %reduce_min3A_312 : vector<128xi32> to vector<128x1xi32>
    %eq3A_314 = arith.constant 3.000000e+01 : f32
    %eq3A_315 = vector.broadcast %eq3A_314 : f32 to vector<128x4096xf32>
    %eq3A_316 = arith.cmpf oeq, %mul3A_57, %eq3A_315 : vector<128x4096xf32>
    %jit3A_317 = arith.constant 4096 : i32
    %broadcast_in_dim3A_318 = vector.broadcast %jit3A_317 : i32 to vector<128x4096xi32>
    %select_n3A_319 = arith.select %eq3A_316, %iota3A, %broadcast_in_dim3A_318 : vector<128x4096xi1>, vector<128x4096xi32>
    %reduce_min3A_320 = arith.constant dense<2147483647> : vector<128xi32>
    %reduce_min3A_321 = vector.multi_reduction <minsi>, %select_n3A_319, %reduce_min3A_320 [1] : vector<128x4096xi32> to vector<128xi32>
    %broadcast_in_dim3A_322 = vector.shape_cast %reduce_min3A_321 : vector<128xi32> to vector<128x1xi32>
    %eq3A_323 = arith.constant 3.100000e+01 : f32
    %eq3A_324 = vector.broadcast %eq3A_323 : f32 to vector<128x4096xf32>
    %eq3A_325 = arith.cmpf oeq, %mul3A_57, %eq3A_324 : vector<128x4096xf32>
    %jit3A_326 = arith.constant 4096 : i32
    %broadcast_in_dim3A_327 = vector.broadcast %jit3A_326 : i32 to vector<128x4096xi32>
    %select_n3A_328 = arith.select %eq3A_325, %iota3A, %broadcast_in_dim3A_327 : vector<128x4096xi1>, vector<128x4096xi32>
    %reduce_min3A_329 = arith.constant dense<2147483647> : vector<128xi32>
    %reduce_min3A_330 = vector.multi_reduction <minsi>, %select_n3A_328, %reduce_min3A_329 [1] : vector<128x4096xi32> to vector<128xi32>
    %broadcast_in_dim3A_331 = vector.shape_cast %reduce_min3A_330 : vector<128xi32> to vector<128x1xi32>
    %eq3A_332 = arith.constant 3.200000e+01 : f32
    %eq3A_333 = vector.broadcast %eq3A_332 : f32 to vector<128x4096xf32>
    %eq3A_334 = arith.cmpf oeq, %mul3A_57, %eq3A_333 : vector<128x4096xf32>
    %jit3A_335 = arith.constant 4096 : i32
    %broadcast_in_dim3A_336 = vector.broadcast %jit3A_335 : i32 to vector<128x4096xi32>
    %select_n3A_337 = arith.select %eq3A_334, %iota3A, %broadcast_in_dim3A_336 : vector<128x4096xi1>, vector<128x4096xi32>
    %reduce_min3A_338 = arith.constant dense<2147483647> : vector<128xi32>
    %reduce_min3A_339 = vector.multi_reduction <minsi>, %select_n3A_337, %reduce_min3A_338 [1] : vector<128x4096xi32> to vector<128xi32>
    %broadcast_in_dim3A_340 = vector.shape_cast %reduce_min3A_339 : vector<128xi32> to vector<128x1xi32>
    %concatenate3A = tpu.concatenate %broadcast_in_dim3A_61, %broadcast_in_dim3A_70, %broadcast_in_dim3A_79, %broadcast_in_dim3A_88, %broadcast_in_dim3A_97, %broadcast_in_dim3A_106, %broadcast_in_dim3A_115, %broadcast_in_dim3A_124, %broadcast_in_dim3A_133, %broadcast_in_dim3A_142, %broadcast_in_dim3A_151, %broadcast_in_dim3A_160, %broadcast_in_dim3A_169, %broadcast_in_dim3A_178, %broadcast_in_dim3A_187, %broadcast_in_dim3A_196, %broadcast_in_dim3A_205, %broadcast_in_dim3A_214, %broadcast_in_dim3A_223, %broadcast_in_dim3A_232, %broadcast_in_dim3A_241, %broadcast_in_dim3A_250, %broadcast_in_dim3A_259, %broadcast_in_dim3A_268, %broadcast_in_dim3A_277, %broadcast_in_dim3A_286, %broadcast_in_dim3A_295, %broadcast_in_dim3A_304, %broadcast_in_dim3A_313, %broadcast_in_dim3A_322, %broadcast_in_dim3A_331, %broadcast_in_dim3A_340 in 1 : vector<128x1xi32>, vector<128x1xi32>, vector<128x1xi32>, vector<128x1xi32>, vector<128x1xi32>, vector<128x1xi32>, vector<128x1xi32>, vector<128x1xi32>, vector<128x1xi32>, vector<128x1xi32>, vector<128x1xi32>, vector<128x1xi32>, vector<128x1xi32>, vector<128x1xi32>, vector<128x1xi32>, vector<128x1xi32>, vector<128x1xi32>, vector<128x1xi32>, vector<128x1xi32>, vector<128x1xi32>, vector<128x1xi32>, vector<128x1xi32>, vector<128x1xi32>, vector<128x1xi32>, vector<128x1xi32>, vector<128x1xi32>, vector<128x1xi32>, vector<128x1xi32>, vector<128x1xi32>, vector<128x1xi32>, vector<128x1xi32>, vector<128x1xi32> -> vector<128x32xi32>
    %slice3A_341 = vector.extract_strided_slice %concatenate3A {offsets = [0, 0], sizes = [128, 1], strides = [1, 1]} : vector<128x32xi32> to vector<128x1xi32>
    %eq3A_342 = arith.constant 4096 : i32
    %eq3A_343 = vector.broadcast %eq3A_342 : i32 to vector<128x32xi32>
    %eq3A_344 = arith.cmpi eq, %concatenate3A, %eq3A_343 : vector<128x32xi32>
    %broadcast_in_dim3A_345 = vector.shape_cast %slice3A_341 : vector<128x1xi32> to vector<128x1xi32>
    %broadcast_in_dim3A_346 = vector.broadcast %broadcast_in_dim3A_345 : vector<128x1xi32> to vector<128x32xi32>
    %select_n3A_347 = arith.select %eq3A_344, %broadcast_in_dim3A_346, %concatenate3A : vector<128x32xi1>, vector<128x32xi32>
    %eq3A_348 = arith.constant 4096 : i32
    %eq3A_349 = vector.broadcast %eq3A_348 : i32 to vector<128x32xi32>
    %eq3A_350 = arith.cmpi eq, %select_n3A_347, %eq3A_349 : vector<128x32xi32>
    %jit3A_351 = arith.constant 0 : i32
    %broadcast_in_dim3A_352 = vector.broadcast %jit3A_351 : i32 to vector<128x32xi32>
    %select_n3A_353 = arith.select %eq3A_350, %broadcast_in_dim3A_352, %select_n3A_347 : vector<128x32xi1>, vector<128x32xi32>
    %mul3A_354 = arith.constant 4096 : i32
    %mul3A_355 = arith.muli %arg0, %mul3A_354 : i32
    %add3A_356 = vector.broadcast %mul3A_355 : i32 to vector<128x32xi32>
    %add3A_357 = arith.addi %select_n3A_353, %add3A_356 : vector<128x32xi32>
    %swap3A = arith.constant 0 : index
    %swap3A_358 = arith.constant 0 : index
    %swap3A_359 = arith.constant 0 : index
    %swap3A_360 = vector.load %arg4[%swap3A, %swap3A_358, %swap3A_359] : memref<1x128x32xi32, #tpu.memory_space<vmem>>, vector<1x128x32xi32>
    %swap3A_361 = vector.shape_cast %swap3A_360 : vector<1x128x32xi32> to vector<128x32xi32>
    %swap3A_362 = vector.shape_cast %add3A_357 : vector<128x32xi32> to vector<1x128x32xi32>
    tpu.vector_store %arg4[%swap3A, %swap3A_358, %swap3A_359], %swap3A_362 {strides = array<i32>} : memref<1x128x32xi32, #tpu.memory_space<vmem>>, vector<1x128x32xi32>,
    return
  }
  func.func @transform_0(%arg0: i32, %arg1: i32) -> (i32, i32, i32) {
    %c0_i32 = arith.constant 0 : i32
    %c0_i32_0 = arith.constant 0 : i32
    %c0_i32_1 = arith.constant 0 : i32
    return %arg0, %c0_i32, %c0_i32_0 : i32, i32, i32
  }
  func.func @transform_1(%arg0: i32, %arg1: i32) -> (i32, i32, i32) {
    %c0_i32 = arith.constant 0 : i32
    %c0_i32_0 = arith.constant 0 : i32
    return %arg0, %arg1, %c0_i32 : i32, i32, i32
  }
  func.func @transform_2(%arg0: i32, %arg1: i32) -> (i32, i32, i32) {
    %c0_i32 = arith.constant 0 : i32
    %c0_i32_0 = arith.constant 0 : i32
    return %arg0, %arg1, %c0_i32 : i32, i32, i32
  }
}

module attributes {stable_mosaic.version = 14 : i64} {
  func.func @_conv_body(%arg0: i32, %arg1: i32, %arg2: memref<1x128x32x128xf32, #tpu.memory_space<vmem>>, %arg3: memref<1x128x3xf32, #tpu.memory_space<vmem>>, %arg4: memref<128x128xf32, #tpu.memory_space<vmem>>, %arg5: memref<8x128xf32, #tpu.memory_space<vmem>>, %arg6: memref<1x128x128xf32, #tpu.memory_space<vmem>>, %arg7: memref<1x128x128xf32, #tpu.memory_space<vmem>>, %arg8: memref<8x128xf32, #tpu.memory_space<vmem>>, %arg9: memref<8x128xf32, #tpu.memory_space<vmem>>) attributes {dimension_semantics = [#tpu.dimension_semantics<arbitrary>, #tpu.dimension_semantics<arbitrary>], iteration_bounds = array<i64: 8, 8>, scalar_prefetch = 0 : i64, scratch_operands = 0 : i64, tpu.core_type = #tpu.core_type<tc>, window_params = [{transform_indices = @transform_0, window_bounds = array<i64: 1, 128, 32, 128>}, {transform_indices = @transform_1, window_bounds = array<i64: 1, 128, 3>}, {pipeline_mode = #tpu.pipeline_mode<synchronous>, transform_indices = @transform_2, window_bounds = array<i64: 128, 128>}, {pipeline_mode = #tpu.pipeline_mode<synchronous>, transform_indices = @transform_3, window_bounds = array<i64: 8, 128>}, {transform_indices = @transform_4, window_bounds = array<i64: 1, 128, 128>}, {transform_indices = @transform_5, window_bounds = array<i64: 1, 128, 128>}, {pipeline_mode = #tpu.pipeline_mode<synchronous>, transform_indices = @transform_6, window_bounds = array<i64: 8, 128>}, {pipeline_mode = #tpu.pipeline_mode<synchronous>, transform_indices = @transform_7, window_bounds = array<i64: 8, 128>}]} {
    %get3A = arith.constant 0 : index
    %get3A_0 = arith.constant 0 : index
    %get3A_1 = arith.constant 0 : index
    %get3A_2 = arith.constant 0 : index
    %get3A_3 = vector.load %arg2[%get3A, %get3A_0, %get3A_1, %get3A_2] : memref<1x128x32x128xf32, #tpu.memory_space<vmem>>, vector<1x128x32x128xf32>
    %get3A_4 = vector.shape_cast %get3A_3 : vector<1x128x32x128xf32> to vector<128x32x128xf32>
    %reshape3A = vector.shape_cast %get3A_4 : vector<128x32x128xf32> to vector<4096x128xf32>
    %get3A_5 = arith.constant 0 : index
    %get3A_6 = arith.constant 0 : index
    %get3A_7 = vector.load %arg4[%get3A_5, %get3A_6] : memref<128x128xf32, #tpu.memory_space<vmem>>, vector<128x128xf32>
    %dot_general3A = arith.constant dense<0.000000e+00> : vector<4096x128xf32>
    %dot_general3A_8 = tpu.matmul %reshape3A, %get3A_7, %dot_general3A {dimension_numbers = #tpu.dot_dimension_numbers<[1], [0], [0], [1], [0, 0, 1, 1], [], []>, transpose_lhs_hint = false} : vector<4096x128xf32>, vector<128x128xf32>, vector<4096x128xf32> -> vector<4096x128xf32>
    %reshape3A_9 = vector.shape_cast %dot_general3A_8 : vector<4096x128xf32> to vector<128x32x128xf32>
    %reduce_max3A = arith.constant dense<0xFF800000> : vector<128x128xf32>
    %reduce_max3A_10 = vector.multi_reduction <maximumf>, %reshape3A_9, %reduce_max3A [1] : vector<128x32x128xf32> to vector<128x128xf32>
    %reduce_min3A = arith.constant dense<0x7F800000> : vector<128x128xf32>
    %reduce_min3A_11 = vector.multi_reduction <minimumf>, %reshape3A_9, %reduce_min3A [1] : vector<128x32x128xf32> to vector<128x128xf32>
    %reduce_sum3A = arith.constant dense<0.000000e+00> : vector<128x128xf32>
    %reduce_sum3A_12 = vector.multi_reduction <add>, %reshape3A_9, %reduce_sum3A [1] : vector<128x32x128xf32> to vector<128x128xf32>
    %mul3A = arith.mulf %reshape3A_9, %reshape3A_9 : vector<128x32x128xf32>
    %reduce_sum3A_13 = arith.constant dense<0.000000e+00> : vector<128x128xf32>
    %reduce_sum3A_14 = vector.multi_reduction <add>, %mul3A, %reduce_sum3A_13 [1] : vector<128x32x128xf32> to vector<128x128xf32>
    %get3A_15 = arith.constant 0 : index
    %get3A_16 = arith.constant 0 : index
    %get3A_17 = arith.constant 0 : index
    %get3A_18 = vector.load %arg3[%get3A_15, %get3A_16, %get3A_17] : memref<1x128x3xf32, #tpu.memory_space<vmem>>, vector<1x128x3xf32>
    %get3A_19 = vector.shape_cast %get3A_18 : vector<1x128x3xf32> to vector<128x3xf32>
    %slice3A = vector.extract_strided_slice %get3A_19 {offsets = [0, 0], sizes = [128, 1], strides = [1, 1]} : vector<128x3xf32> to vector<128x1xf32>
    %get3A_20 = arith.constant 0 : index
    %get3A_21 = arith.constant 0 : index
    %get3A_22 = vector.load %arg5[%get3A_20, %get3A_21] : memref<8x128xf32, #tpu.memory_space<vmem>>, vector<1x128xf32>
    %mul3A_23 = vector.broadcast %slice3A : vector<128x1xf32> to vector<128x128xf32>
    %mul3A_24 = vector.broadcast %get3A_22 : vector<1x128xf32> to vector<128x128xf32>
    %mul3A_25 = arith.mulf %mul3A_23, %mul3A_24 : vector<128x128xf32>
    %slice3A_26 = vector.extract_strided_slice %get3A_19 {offsets = [0, 1], sizes = [128, 1], strides = [1, 1]} : vector<128x3xf32> to vector<128x1xf32>
    %get3A_27 = arith.constant 1 : index
    %get3A_28 = arith.constant 0 : index
    %get3A_29 = vector.load %arg5[%get3A_27, %get3A_28] : memref<8x128xf32, #tpu.memory_space<vmem>>, vector<1x128xf32>
    %mul3A_30 = vector.broadcast %slice3A_26 : vector<128x1xf32> to vector<128x128xf32>
    %mul3A_31 = vector.broadcast %get3A_29 : vector<1x128xf32> to vector<128x128xf32>
    %mul3A_32 = arith.mulf %mul3A_30, %mul3A_31 : vector<128x128xf32>
    %add3A = arith.addf %mul3A_25, %mul3A_32 : vector<128x128xf32>
    %slice3A_33 = vector.extract_strided_slice %get3A_19 {offsets = [0, 2], sizes = [128, 1], strides = [1, 1]} : vector<128x3xf32> to vector<128x1xf32>
    %get3A_34 = arith.constant 2 : index
    %get3A_35 = arith.constant 0 : index
    %get3A_36 = vector.load %arg5[%get3A_34, %get3A_35] : memref<8x128xf32, #tpu.memory_space<vmem>>, vector<1x128xf32>
    %mul3A_37 = vector.broadcast %slice3A_33 : vector<128x1xf32> to vector<128x128xf32>
    %mul3A_38 = vector.broadcast %get3A_36 : vector<1x128xf32> to vector<128x128xf32>
    %mul3A_39 = arith.mulf %mul3A_37, %mul3A_38 : vector<128x128xf32>
    %add3A_40 = arith.addf %add3A, %mul3A_39 : vector<128x128xf32>
    %sub3A = arith.subf %reduce_max3A_10, %add3A_40 : vector<128x128xf32>
    %swap3A = arith.constant 0 : index
    %swap3A_41 = arith.constant 0 : index
    %swap3A_42 = arith.constant 0 : index
    %swap3A_43 = vector.load %arg6[%swap3A, %swap3A_41, %swap3A_42] : memref<1x128x128xf32, #tpu.memory_space<vmem>>, vector<1x128x128xf32>
    %swap3A_44 = vector.shape_cast %swap3A_43 : vector<1x128x128xf32> to vector<128x128xf32>
    %swap3A_45 = vector.shape_cast %sub3A : vector<128x128xf32> to vector<1x128x128xf32>
    tpu.vector_store %arg6[%swap3A, %swap3A_41, %swap3A_42], %swap3A_45 {strides = array<i32>} : memref<1x128x128xf32, #tpu.memory_space<vmem>>, vector<1x128x128xf32>,
    %sub3A_46 = arith.subf %reduce_min3A_11, %add3A_40 : vector<128x128xf32>
    %swap3A_47 = arith.constant 0 : index
    %swap3A_48 = arith.constant 0 : index
    %swap3A_49 = arith.constant 0 : index
    %swap3A_50 = vector.load %arg7[%swap3A_47, %swap3A_48, %swap3A_49] : memref<1x128x128xf32, #tpu.memory_space<vmem>>, vector<1x128x128xf32>
    %swap3A_51 = vector.shape_cast %swap3A_50 : vector<1x128x128xf32> to vector<128x128xf32>
    %swap3A_52 = vector.shape_cast %sub3A_46 : vector<128x128xf32> to vector<1x128x128xf32>
    tpu.vector_store %arg7[%swap3A_47, %swap3A_48, %swap3A_49], %swap3A_52 {strides = array<i32>} : memref<1x128x128xf32, #tpu.memory_space<vmem>>, vector<1x128x128xf32>,
    %mul3A_53 = arith.constant 3.200000e+01 : f32
    %mul3A_54 = vector.broadcast %mul3A_53 : f32 to vector<128x128xf32>
    %mul3A_55 = arith.mulf %mul3A_54, %add3A_40 : vector<128x128xf32>
    %sub3A_56 = arith.subf %reduce_sum3A_12, %mul3A_55 : vector<128x128xf32>
    %reduce_sum3A_57 = arith.constant dense<0.000000e+00> : vector<128xf32>
    %reduce_sum3A_58 = vector.multi_reduction <add>, %sub3A_56, %reduce_sum3A_57 [0] : vector<128x128xf32> to vector<128xf32>
    %broadcast_in_dim3A = vector.shape_cast %reduce_sum3A_58 : vector<128xf32> to vector<1x128xf32>
    %mul3A_59 = arith.constant 2.000000e+00 : f32
    %mul3A_60 = vector.broadcast %mul3A_59 : f32 to vector<128x128xf32>
    %mul3A_61 = arith.mulf %mul3A_60, %add3A_40 : vector<128x128xf32>
    %mul3A_62 = arith.mulf %mul3A_61, %reduce_sum3A_12 : vector<128x128xf32>
    %sub3A_63 = arith.subf %reduce_sum3A_14, %mul3A_62 : vector<128x128xf32>
    %mul3A_64 = arith.mulf %add3A_40, %add3A_40 : vector<128x128xf32>
    %mul3A_65 = arith.constant 3.200000e+01 : f32
    %mul3A_66 = vector.broadcast %mul3A_65 : f32 to vector<128x128xf32>
    %mul3A_67 = arith.mulf %mul3A_66, %mul3A_64 : vector<128x128xf32>
    %add3A_68 = arith.addf %sub3A_63, %mul3A_67 : vector<128x128xf32>
    %reduce_sum3A_69 = arith.constant dense<0.000000e+00> : vector<128xf32>
    %reduce_sum3A_70 = vector.multi_reduction <add>, %add3A_68, %reduce_sum3A_69 [0] : vector<128x128xf32> to vector<128xf32>
    %broadcast_in_dim3A_71 = vector.shape_cast %reduce_sum3A_70 : vector<128xf32> to vector<1x128xf32>
    %eq3A = arith.constant 0 : i32
    %eq3A_72 = arith.cmpi eq, %arg0, %eq3A : i32
    %eq3A_73 = arith.constant 0 : i32
    %eq3A_74 = arith.cmpi eq, %arg1, %eq3A_73 : i32
    %and3A = arith.andi %eq3A_72, %eq3A_74 : i1
    %convert_element_type3A = arith.extui %and3A : i1 to i32
    %cond3A = arith.constant 0 : i32
    %cond3A_75 = arith.cmpi ne, %convert_element_type3A, %cond3A : i32
    scf.if %cond3A_75 {
      %broadcast_in_dim3A_90 = arith.constant 0.000000e+00 : f32
      %broadcast_in_dim3A_91 = vector.broadcast %broadcast_in_dim3A_90 : f32 to vector<8x128xf32>
      %swap3A_92 = arith.constant 0 : index
      %swap3A_93 = arith.constant 0 : index
      %swap3A_94 = vector.load %arg8[%swap3A_92, %swap3A_93] : memref<8x128xf32, #tpu.memory_space<vmem>>, vector<8x128xf32>
      tpu.vector_store %arg8[%swap3A_92, %swap3A_93], %broadcast_in_dim3A_91 {strides = array<i32>} : memref<8x128xf32, #tpu.memory_space<vmem>>, vector<8x128xf32>,
      %broadcast_in_dim3A_95 = arith.constant 0.000000e+00 : f32
      %broadcast_in_dim3A_96 = vector.broadcast %broadcast_in_dim3A_95 : f32 to vector<8x128xf32>
      %swap3A_97 = arith.constant 0 : index
      %swap3A_98 = arith.constant 0 : index
      %swap3A_99 = vector.load %arg9[%swap3A_97, %swap3A_98] : memref<8x128xf32, #tpu.memory_space<vmem>>, vector<8x128xf32>
      tpu.vector_store %arg9[%swap3A_97, %swap3A_98], %broadcast_in_dim3A_96 {strides = array<i32>} : memref<8x128xf32, #tpu.memory_space<vmem>>, vector<8x128xf32>,
    } else {
    }
    %get3A_76 = arith.constant 0 : index
    %get3A_77 = arith.constant 0 : index
    %get3A_78 = vector.load %arg8[%get3A_76, %get3A_77] : memref<8x128xf32, #tpu.memory_space<vmem>>, vector<1x128xf32>
    %add3A_79 = arith.addf %get3A_78, %broadcast_in_dim3A : vector<1x128xf32>
    %swap3A_80 = arith.constant 0 : index
    %swap3A_81 = arith.constant 0 : index
    %swap3A_82 = vector.load %arg8[%swap3A_80, %swap3A_81] : memref<8x128xf32, #tpu.memory_space<vmem>>, vector<1x128xf32>
    tpu.vector_store %arg8[%swap3A_80, %swap3A_81], %add3A_79 {strides = array<i32>} : memref<8x128xf32, #tpu.memory_space<vmem>>, vector<1x128xf32>,
    %get3A_83 = arith.constant 0 : index
    %get3A_84 = arith.constant 0 : index
    %get3A_85 = vector.load %arg9[%get3A_83, %get3A_84] : memref<8x128xf32, #tpu.memory_space<vmem>>, vector<1x128xf32>
    %add3A_86 = arith.addf %get3A_85, %broadcast_in_dim3A_71 : vector<1x128xf32>
    %swap3A_87 = arith.constant 0 : index
    %swap3A_88 = arith.constant 0 : index
    %swap3A_89 = vector.load %arg9[%swap3A_87, %swap3A_88] : memref<8x128xf32, #tpu.memory_space<vmem>>, vector<1x128xf32>
    tpu.vector_store %arg9[%swap3A_87, %swap3A_88], %add3A_86 {strides = array<i32>} : memref<8x128xf32, #tpu.memory_space<vmem>>, vector<1x128xf32>,
    return
  }
  func.func @transform_0(%arg0: i32, %arg1: i32) -> (i32, i32, i32, i32) {
    %c0_i32 = arith.constant 0 : i32
    %c0_i32_0 = arith.constant 0 : i32
    %c0_i32_1 = arith.constant 0 : i32
    return %arg0, %arg1, %c0_i32, %c0_i32_0 : i32, i32, i32, i32
  }
  func.func @transform_1(%arg0: i32, %arg1: i32) -> (i32, i32, i32) {
    %c0_i32 = arith.constant 0 : i32
    %c0_i32_0 = arith.constant 0 : i32
    return %arg0, %arg1, %c0_i32 : i32, i32, i32
  }
  func.func @transform_2(%arg0: i32, %arg1: i32) -> (i32, i32) {
    %c0_i32 = arith.constant 0 : i32
    %c0_i32_0 = arith.constant 0 : i32
    %c0_i32_1 = arith.constant 0 : i32
    return %c0_i32, %c0_i32_0 : i32, i32
  }
  func.func @transform_3(%arg0: i32, %arg1: i32) -> (i32, i32) {
    %c0_i32 = arith.constant 0 : i32
    %c0_i32_0 = arith.constant 0 : i32
    %c0_i32_1 = arith.constant 0 : i32
    return %c0_i32, %c0_i32_0 : i32, i32
  }
  func.func @transform_4(%arg0: i32, %arg1: i32) -> (i32, i32, i32) {
    %c0_i32 = arith.constant 0 : i32
    %c0_i32_0 = arith.constant 0 : i32
    return %arg0, %arg1, %c0_i32 : i32, i32, i32
  }
  func.func @transform_5(%arg0: i32, %arg1: i32) -> (i32, i32, i32) {
    %c0_i32 = arith.constant 0 : i32
    %c0_i32_0 = arith.constant 0 : i32
    return %arg0, %arg1, %c0_i32 : i32, i32, i32
  }
  func.func @transform_6(%arg0: i32, %arg1: i32) -> (i32, i32) {
    %c0_i32 = arith.constant 0 : i32
    %c0_i32_0 = arith.constant 0 : i32
    %c0_i32_1 = arith.constant 0 : i32
    return %c0_i32, %c0_i32_0 : i32, i32
  }
  func.func @transform_7(%arg0: i32, %arg1: i32) -> (i32, i32) {
    %c0_i32 = arith.constant 0 : i32
    %c0_i32_0 = arith.constant 0 : i32
    %c0_i32_1 = arith.constant 0 : i32
    return %c0_i32, %c0_i32_0 : i32, i32
  }
}

module attributes {stable_mosaic.version = 14 : i64} {
  func.func @_bn_body(%arg0: i32, %arg1: memref<1x1024x128xf32, #tpu.memory_space<vmem>>, %arg2: memref<1x1024x128xf32, #tpu.memory_space<vmem>>, %arg3: memref<8x128xf32, #tpu.memory_space<vmem>>, %arg4: memref<8x128xf32, #tpu.memory_space<vmem>>, %arg5: memref<8x128xf32, #tpu.memory_space<vmem>>, %arg6: memref<8x128xf32, #tpu.memory_space<vmem>>, %arg7: memref<1x1024x128xf32, #tpu.memory_space<vmem>>) attributes {dimension_semantics = [#tpu.dimension_semantics<arbitrary>], iteration_bounds = array<i64: 8>, scalar_prefetch = 0 : i64, scratch_operands = 0 : i64, tpu.core_type = #tpu.core_type<tc>, window_params = [{transform_indices = @transform_0, window_bounds = array<i64: 1, 1024, 128>}, {transform_indices = @transform_1, window_bounds = array<i64: 1, 1024, 128>}, {pipeline_mode = #tpu.pipeline_mode<synchronous>, transform_indices = @transform_2, window_bounds = array<i64: 8, 128>}, {pipeline_mode = #tpu.pipeline_mode<synchronous>, transform_indices = @transform_3, window_bounds = array<i64: 8, 128>}, {pipeline_mode = #tpu.pipeline_mode<synchronous>, transform_indices = @transform_4, window_bounds = array<i64: 8, 128>}, {pipeline_mode = #tpu.pipeline_mode<synchronous>, transform_indices = @transform_5, window_bounds = array<i64: 8, 128>}, {transform_indices = @transform_6, window_bounds = array<i64: 1, 1024, 128>}]} {
    %get3A = arith.constant 0 : index
    %get3A_0 = arith.constant 0 : index
    %get3A_1 = vector.load %arg3[%get3A, %get3A_0] : memref<8x128xf32, #tpu.memory_space<vmem>>, vector<1x128xf32>
    %get3A_2 = arith.constant 0 : index
    %get3A_3 = arith.constant 0 : index
    %get3A_4 = vector.load %arg4[%get3A_2, %get3A_3] : memref<8x128xf32, #tpu.memory_space<vmem>>, vector<1x128xf32>
    %div3A = arith.constant 2.621440e+05 : f32
    %div3A_5 = vector.broadcast %div3A : f32 to vector<1x128xf32>
    %div3A_6 = arith.divf %get3A_1, %div3A_5 : vector<1x128xf32>
    %div3A_7 = arith.constant 2.621440e+05 : f32
    %div3A_8 = vector.broadcast %div3A_7 : f32 to vector<1x128xf32>
    %div3A_9 = arith.divf %get3A_4, %div3A_8 : vector<1x128xf32>
    %mul3A = arith.mulf %div3A_6, %div3A_6 : vector<1x128xf32>
    %sub3A = arith.subf %div3A_9, %mul3A : vector<1x128xf32>
    %add3A = arith.constant 9.99999974E-6 : f32
    %add3A_10 = vector.broadcast %add3A : f32 to vector<1x128xf32>
    %add3A_11 = arith.addf %sub3A, %add3A_10 : vector<1x128xf32>
    %rsqrt3A = math.rsqrt %add3A_11 : vector<1x128xf32>
    %get3A_12 = arith.constant 0 : index
    %get3A_13 = arith.constant 0 : index
    %get3A_14 = vector.load %arg5[%get3A_12, %get3A_13] : memref<8x128xf32, #tpu.memory_space<vmem>>, vector<1x128xf32>
    %mul3A_15 = arith.mulf %get3A_14, %rsqrt3A : vector<1x128xf32>
    %get3A_16 = arith.constant 0 : index
    %get3A_17 = arith.constant 0 : index
    %get3A_18 = vector.load %arg6[%get3A_16, %get3A_17] : memref<8x128xf32, #tpu.memory_space<vmem>>, vector<1x128xf32>
    %mul3A_19 = arith.mulf %div3A_6, %mul3A_15 : vector<1x128xf32>
    %sub3A_20 = arith.subf %get3A_18, %mul3A_19 : vector<1x128xf32>
    %ge3A = arith.constant 0.000000e+00 : f32
    %ge3A_21 = vector.broadcast %ge3A : f32 to vector<1x128xf32>
    %ge3A_22 = arith.cmpf oge, %mul3A_15, %ge3A_21 : vector<1x128xf32>
    %get3A_23 = arith.constant 0 : index
    %get3A_24 = arith.constant 0 : index
    %get3A_25 = arith.constant 0 : index
    %get3A_26 = vector.load %arg1[%get3A_23, %get3A_24, %get3A_25] : memref<1x1024x128xf32, #tpu.memory_space<vmem>>, vector<1x1024x128xf32>
    %get3A_27 = vector.shape_cast %get3A_26 : vector<1x1024x128xf32> to vector<1024x128xf32>
    %get3A_28 = arith.constant 0 : index
    %get3A_29 = arith.constant 0 : index
    %get3A_30 = arith.constant 0 : index
    %get3A_31 = vector.load %arg2[%get3A_28, %get3A_29, %get3A_30] : memref<1x1024x128xf32, #tpu.memory_space<vmem>>, vector<1x1024x128xf32>
    %get3A_32 = vector.shape_cast %get3A_31 : vector<1x1024x128xf32> to vector<1024x128xf32>
    %broadcast_in_dim3A = vector.shape_cast %ge3A_22 : vector<1x128xi1> to vector<1x128xi1>
    %broadcast_in_dim3A_33 = vector.broadcast %broadcast_in_dim3A : vector<1x128xi1> to vector<1024x128xi1>
    %select_n3A = arith.select %broadcast_in_dim3A_33, %get3A_27, %get3A_32 : vector<1024x128xi1>, vector<1024x128xf32>
    %mul3A_34 = vector.broadcast %mul3A_15 : vector<1x128xf32> to vector<1024x128xf32>
    %mul3A_35 = arith.mulf %select_n3A, %mul3A_34 : vector<1024x128xf32>
    %add3A_36 = vector.broadcast %sub3A_20 : vector<1x128xf32> to vector<1024x128xf32>
    %add3A_37 = arith.addf %mul3A_35, %add3A_36 : vector<1024x128xf32>
    %max3A = arith.constant 0.000000e+00 : f32
    %max3A_38 = vector.broadcast %max3A : f32 to vector<1024x128xf32>
    %max3A_39 = arith.maximumf %add3A_37, %max3A_38 : vector<1024x128xf32>
    %swap3A = arith.constant 0 : index
    %swap3A_40 = arith.constant 0 : index
    %swap3A_41 = arith.constant 0 : index
    %swap3A_42 = vector.load %arg7[%swap3A, %swap3A_40, %swap3A_41] : memref<1x1024x128xf32, #tpu.memory_space<vmem>>, vector<1x1024x128xf32>
    %swap3A_43 = vector.shape_cast %swap3A_42 : vector<1x1024x128xf32> to vector<1024x128xf32>
    %swap3A_44 = vector.shape_cast %max3A_39 : vector<1024x128xf32> to vector<1x1024x128xf32>
    tpu.vector_store %arg7[%swap3A, %swap3A_40, %swap3A_41], %swap3A_44 {strides = array<i32>} : memref<1x1024x128xf32, #tpu.memory_space<vmem>>, vector<1x1024x128xf32>,
    return
  }
  func.func @transform_0(%arg0: i32) -> (i32, i32, i32) {
    %c0_i32 = arith.constant 0 : i32
    %c0_i32_0 = arith.constant 0 : i32
    %c0_i32_1 = arith.constant 0 : i32
    return %arg0, %c0_i32, %c0_i32_0 : i32, i32, i32
  }
  func.func @transform_1(%arg0: i32) -> (i32, i32, i32) {
    %c0_i32 = arith.constant 0 : i32
    %c0_i32_0 = arith.constant 0 : i32
    %c0_i32_1 = arith.constant 0 : i32
    return %arg0, %c0_i32, %c0_i32_0 : i32, i32, i32
  }
  func.func @transform_2(%arg0: i32) -> (i32, i32) {
    %c0_i32 = arith.constant 0 : i32
    %c0_i32_0 = arith.constant 0 : i32
    %c0_i32_1 = arith.constant 0 : i32
    return %c0_i32, %c0_i32_0 : i32, i32
  }
  func.func @transform_3(%arg0: i32) -> (i32, i32) {
    %c0_i32 = arith.constant 0 : i32
    %c0_i32_0 = arith.constant 0 : i32
    %c0_i32_1 = arith.constant 0 : i32
    return %c0_i32, %c0_i32_0 : i32, i32
  }
  func.func @transform_4(%arg0: i32) -> (i32, i32) {
    %c0_i32 = arith.constant 0 : i32
    %c0_i32_0 = arith.constant 0 : i32
    %c0_i32_1 = arith.constant 0 : i32
    return %c0_i32, %c0_i32_0 : i32, i32
  }
  func.func @transform_5(%arg0: i32) -> (i32, i32) {
    %c0_i32 = arith.constant 0 : i32
    %c0_i32_0 = arith.constant 0 : i32
    %c0_i32_1 = arith.constant 0 : i32
    return %c0_i32, %c0_i32_0 : i32, i32
  }
  func.func @transform_6(%arg0: i32) -> (i32, i32, i32) {
    %c0_i32 = arith.constant 0 : i32
    %c0_i32_0 = arith.constant 0 : i32
    %c0_i32_1 = arith.constant 0 : i32
    return %arg0, %c0_i32, %c0_i32_0 : i32, i32, i32
  }
}

</mosaic_0001>

<sc_bundles>
// kernel: kernel.7.cloned.1.call-start
scs
__scs_entry_jumppad:
0x0: {  	(pc) =	sbr.rel $0x88, $3  }
0x1: {  	(tag) =	ssettag $0x0;
	lr =	simm.s32 $0x1  }
0x2: {  	[smem:$0x3F9C] =	sst lr;
	_ =	strace $0xD0000000  }
0x3: {  	_ = 	snop  }
0x4: {  	_ = 	snop  }
0x5: {  	_ = 	snop  }
0x6: {  	_ = 	snop  }
0x7: {  	_ = 	snop  }
__scs_overlays_trampoline_lowered:
0x8: {  	[smem:$0x3FAB] =	sst s0  }
0x9: {  	[smem:$0x3FAC] =	sst s1  }
0xa: {  	[smem:$0x3FAD] =	sst s2  }
0xb: {  	[smem:$0x3FAE] =	sst s3  }
0xc: {  	[smem:$0x3FAF] =	sst s4  }
0xd: {  	[smem:$0x3FB0] =	sst s5  }
0xe: {  	[smem:$0x3FB1] =	sst s6  }
0xf: {  	[smem:$0x3FB2] =	sst s7  }
0x10: {  	[smem:$0x3FB3] =	sst s8  }
0x11: {  	[smem:$0x3FB4] =	sst s9;
	s0 =	simm.s32 @!p0 $0x0  }
0x12: {  	s1 =	sld [smem:$0x3F9A];
	s0 =	simm.s32 @p0 $0x1  }
0x13: {  	[smem:$0x3FB5] =	sst s0;
	s0 =	simm.s32 @!p1 $0x0  }
0x14: {  	s2 =	sld [smem:$0x3F99];
	s0 =	simm.s32 @p1 $0x1  }
0x15: {  	[smem:$0x3FB6] =	sst s0;
	s0 =	simm.s32 @!p2 $0x0  }
0x16: {  	s3 =	sld [smem:$0x3FDB];
	s0 =	simm.s32 @p2 $0x1  }
0x17: {  	s4 =	simm.s32 $0x1BF5;
	[smem:$0x3FB8] =	sst s0  }
0x18: {  	s0 =	sld [smem:$0x3F9B];
	_ =	swait.ge [sflag:s4], $0x0  }
0x19: {  	s7 =	sld [smem:$0x3F9C]  }
0x1a: {  	s8 =	sadd.s32 $0xFFFFE003, lr  }
0x1b: {  	s9 =	sadd.s32 $0xFFFFFEF7, lr;
	s5 =	simm.s32 $0xFFFFFFFF;
	p2 =	slt.u32 s8, $0xFFFFF086  }
0x1c: {  	p1 =	slt.u32 s9, $0xF7A;
	s5 =	simm.s32 @!p2 $0x0  }
0x1d: {  	s5 =	simm.s32 @p1 $0x1;
	p0 =	seq.s32 s7, s2  }
0x1e: {  	s7 =	smul.u32 @!p0 $0xF7A, s2;
	p2 =	seq.s32 @!p0 s5, $0x0  }
0x1f: {  	s9 =	smul.u32 $0xF7A, s1;
	s8 =	simm.s32 @!p0 $0x1BF5;
	p2 =	por !p2, p0  }
0x20: {  	[sflag:s8] =	ssyncset.s32 @!p0 $0xFFFFF086;
	s6 =	sadd.s32 @!p0 s3, s7;
	s7 =	simm.s32 @!p0 $0x108  }
0x21: {  	s3 =	sadd.s32 s3, s9;
	s6 =	sadd.s32 @!p0 $0x88, s6;
	s7 =	simm.s32 @p2 $0x1082  }
0x22: {  	[simem:s7], [sflag:s8] =	dma.local @!p0 [hbm:s6], $0xF7A  }
0x23: {  	s9 =	sor.u32 $0xD0000000, s2;
	s6 =	simm.s32 $0x108;
	_ =	swait.ge @!p0 [sflag:s8], $0x0  }
0x24: {  	s3 =	sadd.s32 $0x88, s3;
	s6 =	simm.s32 @!p1 $0x1082;
	[sflag:s4] =	ssyncset.s32 $0xFFFFF086  }
0x25: {  	[simem:s6], [sflag:s4] =	dma.local [hbm:s3], $0xF7A  }
0x26: {  	[smem:$0x3F9C] =	sst s1;
	(tag) =	ssettag s2;
	_ =	strace s9  }
0x27: {  	s1 =	sld [smem:$0x3FAC]  }
0x28: {  	s2 =	sld [smem:$0x3FAD]  }
0x29: {  	s4 =	sld [smem:$0x3FAF]  }
0x2a: {  	p0 =	seq.s32 s5, $0x0;
	s5 =	sld [smem:$0x3FB0]  }
0x2b: {  	s6 =	sld [smem:$0x3FB1]  }
0x2c: {  	s7 =	sld [smem:$0x3FB2]  }
0x2d: {  	s3 =	simm.s32 $0x108;
	s8 =	sld [smem:$0x3FB3]  }
0x2e: {  	s3 =	simm.s32 @!p0 $0x1082;
	s9 =	sld [smem:$0x3FB4]  }
0x2f: {  	lr =	sadd.s32 s0, s3;
	s0 =	sld [smem:$0x3FAB]  }
0x30: {  	s3 =	sld [smem:$0x3FAE]  }
0x31: {  	[smem:$0x3FB7] =	sst s10  }
0x32: {  	s10 =	sld [smem:$0x3FB5];
	_ =	sdelay $0x3  }
0x33: {  	p0 =	seq.s32 s10, $0x1;
	s10 =	sld [smem:$0x3FB7];
	_ =	sdelay $0x3  }
0x34: {  	[smem:$0x3FB7] =	sst s10  }
0x35: {  	s10 =	sld [smem:$0x3FB6];
	_ =	sdelay $0x3  }
0x36: {  	p1 =	seq.s32 s10, $0x1;
	s10 =	sld [smem:$0x3FB7];
	_ =	sdelay $0x3  }
0x37: {  	[smem:$0x3FB7] =	sst s10  }
0x38: {  	s10 =	sld [smem:$0x3FB8]  }
0x39: {  	_ = 	snop;
	(pc) =	sbr.ind lr, $3  }
0x3a: {  	_ = 	snop  }
0x3b: {  	_ = 	snop  }
0x3c: {  	p2 =	seq.s32 s10, $0x1;
	s10 =	sld [smem:$0x3FB7]  }
0x3d: {  	_ =	shalt  }
0x3e: {  	_ =	shalt  }
0x3f: {  	_ =	shalt  }
0x40: {  	_ =	shalt  }
0x41: {  	_ =	shalt  }
0x42: {  	_ =	shalt  }
0x43: {  	_ =	shalt  }
0x44: {  	_ =	shalt  }
0x45: {  	_ =	shalt  }
0x46: {  	_ =	shalt  }
0x47: {  	_ =	shalt  }
0x48: {  	_ =	shalt  }
0x49: {  	_ =	shalt  }
0x4a: {  	_ =	shalt  }
0x4b: {  	_ =	shalt  }
0x4c: {  	_ =	shalt  }
0x4d: {  	_ =	shalt  }
0x4e: {  	_ =	shalt  }
0x4f: {  	_ =	shalt  }
0x50: {  	_ =	shalt  }
0x51: {  	_ =	shalt  }
0x52: {  	_ =	shalt  }
0x53: {  	_ =	shalt  }
0x54: {  	_ =	shalt  }
0x55: {  	_ =	shalt  }
0x56: {  	_ =	shalt  }
0x57: {  	_ =	shalt  }
0x58: {  	_ =	shalt  }
0x59: {  	_ =	shalt  }
0x5a: {  	_ =	shalt  }
0x5b: {  	_ =	shalt  }
0x5c: {  	_ =	shalt  }
0x5d: {  	_ =	shalt  }
0x5e: {  	_ =	shalt  }
0x5f: {  	_ =	shalt  }
0x60: {  	_ =	shalt  }
0x61: {  	_ =	shalt  }
0x62: {  	_ =	shalt  }
0x63: {  	_ =	shalt  }
0x64: {  	_ =	shalt  }
0x65: {  	_ =	shalt  }
0x66: {  	_ =	shalt  }
0x67: {  	_ =	shalt  }
0x68: {  	_ =	shalt  }
0x69: {  	_ =	shalt  }
0x6a: {  	_ =	shalt  }
0x6b: {  	_ =	shalt  }
0x6c: {  	_ =	shalt  }
0x6d: {  	_ =	shalt  }
0x6e: {  	_ =	shalt  }
0x6f: {  	_ =	shalt  }
0x70: {  	_ =	shalt  }
0x71: {  	_ =	shalt  }
0x72: {  	_ =	shalt  }
0x73: {  	_ =	shalt  }
0x74: {  	_ =	shalt  }
0x75: {  	_ =	shalt  }
0x76: {  	_ =	shalt  }
0x77: {  	_ =	shalt  }
0x78: {  	_ =	shalt  }
0x79: {  	_ =	shalt  }
0x7a: {  	_ =	shalt  }
0x7b: {  	_ =	shalt  }
0x7c: {  	_ =	shalt  }
0x7d: {  	_ =	shalt  }
0x7e: {  	_ =	shalt  }
0x7f: {  	_ =	shalt  }
0x80: {  	_ =	shalt  }
0x81: {  	_ =	shalt  }
0x82: {  	_ =	shalt  }
0x83: {  	_ =	shalt  }
0x84: {  	_ =	shalt  }
0x85: {  	_ =	shalt  }
0x86: {  	_ =	shalt  }
0x87: {  	_ =	shalt  }
.Lfunc_end0:
.L_simem_size_0:
called_computation_lowered:
.L_overlay_start_0:
0x88: {  	s2 =	sld [smem:$0x3FD9]  }
0x89: {  	s3 =	sld [smem:$0x3FFE];
	_ =	sdelay $0x1  }
0x8a: {  	s1 =	srdreg.scid  }
0x8b: {  	s0 =	sand.u32 $0x1, s1  }
0x8c: {  	s16 =	sshll.u32 s0, $0xA;
	s2 =	sadd.s32 s3, s2  }
0x8d: {  	s2 =	sadd.s32 s2, s16  }
0x8e: {  	[smem:$0x3FC3] =	sst s2  }
0x8f: {  	_ = 	snop  }
0x90: {  	(tm) =	ssettm $0x1  }
0x91: {  	s17 =	sld [smem:$0x3FFB];
	_ =	sdelay $0x3  }
0x92: {  	_ =	strace s17  }
0x93: {  	s2 =	sld [smem:$0x3FFC];
	_ =	sdelay $0x3  }
0x94: {  	_ =	strace s2  }
0x95: {  	s2 =	sld [smem:$0x3FFD];
	_ =	sdelay $0x3  }
0x96: {  	_ =	strace s2  }
0x97: {  	_ =	strace $0x8FFFFFFF  }
0x98: {  	s18 =	sld [smem:$0x3FDB];
	_ =	sdelay $0x1  }
0x99: {  	s19 =	simm.s32 $_scs_section_size  }
0x9a: {  	s4 =	simm.s32 $_size__tile_overlayer_lowered;
	s5 =	simm.s32 $_tile_overlayer_lowered  }
0x9b: {  	s22 =	simm.s32 $0x1BFF;
	s21 =	sshll.u32 s5, $0x1;
	s2 =	sadd.s32 s19, s18  }
0x9c: {  	s6 =	simm.s32 $0x0;
	s20 =	sshll.u32 s4, $0x1;
	s4 =	sadd.s32 s21, s2  }
0x9d: {  	[timem:s6], [sflag:s22] =	dma.local [hbm:s4], s20  }
0x9e: {  	_ =	swait.ge [sflag:s22], s20  }
0x9f: {  	s3 =	ssub.s32 $0x0, s20;
	[sflag:s22] =	ssyncset.done $0x0  }
0xa0: {  	[sflag:s22] =	ssyncadd.s32 s3;
	_ =	sdelay $0x1  }
0xa1: {  	s23 =	simm.s32 $0x1B8B  }
0xa2: {  	_ =	swait.ge [sflag:s23], $0x1  }
0xa3: {  	[sflag:s23] =	ssyncset.done $0x0  }
0xa4: {  	s25 =	simm.s32 $0x1B8E;
	s24 =	sld [smem:$0x3FFE];
	[sflag:s23] =	ssyncadd.s32 $0xFFFFFFFF  }
0xa5: {  	s26 =	simm.s32 $execute0_lowered;
	[smem:$0x3FD2] =	sst s25  }
0xa6: {  	s4 =	sshll.u32 s26, $0x1;
	_ =	strace $0x80000046;
	[dreg:$0x1] =	wrdreg $0xFFFFFFFF  }
0xa7: {  	s28 =	simm.s32 $_size_execute0_lowered;
	s2 =	sadd.s32 s2, s4;
	[dreg:$0x0] =	wrdreg $0x0  }
0xa8: {  	s4 =	sshll.u32 s28, $0x1;
	[dreg:$0x2] =	wrdreg s2  }
0xa9: {  	[dreg:$0x3] =	wrdreg s4  }
0xaa: {  	[dreg:$0x4] =	wrdreg $0xC0  }
0xab: {  	_ =	task [dreg:s6], $0x5FFFF  }
0xac: {  	[dreg:$0x1] =	wrdreg $0xFFFFFFFF  }
0xad: {  	[dreg:$0x0] =	wrdreg $0x60  }
0xae: {  	[dreg:$0x2] =	wrdreg s24  }
0xaf: {  	[dreg:$0x3] =	wrdreg $0x9  }
0xb0: {  	_ =	task.clear_ibuf [dreg:s6], $0x4FFFF;
	_ =	strace $0x90000046  }
0xb1: {  	s29 =	simm.s32 $0x9;
	_ =	strace $0x80000048  }
0xb2: {  	_ =	swait.ge [sflag:s29], $0x1  }
0xb3: {  	[sflag:s29] =	ssyncadd.s32 $0xFFFFFFFF  }
0xb4: {  	_ =	strace $0x90000048  }
0xb5: {  	_ =	sfence  }
0xb6: {  	s30 =	sld [smem:$0x0];
	_ =	sdelay $0x2  }
0xb7: {  	s31 =	sshll.u32 s1, $0xD;
	s1 =	sshrl.u32 s1, $0x2  }
0xb8: {  	s3 =	sand.u32 $0x4000, s31;
	s1 =	sadd.s32 s1, s30  }
0xb9: {  	s0 =	sor.u32 s3, s0;
	s1 =	sshll.u32 s1, $0x11  }
0xba: {  	s0 =	sor.u32 s1, s0  }
0xbb: {  	s0 =	sadd.s32 $0x8F2B, s0  }
0xbc: {  	[sflag:s0] =	ssyncadd.remote.s32 $0x1  }
0xbd: {  	_ =	sfence.sel $0xFFFF  }
0xbe: {  	[dreg:$0x0] =	wrdreg $0xFFFFFFFF;
	(pc) =	sbr.abs _section_cstart, $3  }
0xbf: {  	[dreg:$0x1] =	wrdreg $0xFFFFFFFF  }
0xc0: {  	_ =	task.clear_ibuf [dreg:s6], $0x2FFFF;
	_ =	strace $0x9FFFFFFF  }
0xc1: {  	(tm) =	ssettm $0x7FFFFFFF  }
tec
execute0_lowered:
.L_overlay_start_1:
0x0: {  	(tag) =	ssettag $0x1  }
0x1: {  	s4 =	rddreg [dreg:$0x0]  }
0x2: {  	s0 =	rddreg [dreg:$0x1];
	s2 =	simm.s32 $0x0;
	s3 =	srdreg.scid  }
0x3: {  	s1 =	stileid.u32;
	s10 =	simm.s32 $0x1;
	s11 =	simm.s32 $0x0  }
0x4: {  	[smem:$0x7FF] =	sst s2;
	s5 =	sand.u32 $0x1, s3;
	s6 =	sshll.u32 s1, $0xB  }
0x5: {  	s3 =	sadd.s32 $0x9C00, s4;
	s8 =	sshll.u32 s1, $0x12;
	_ =	strace $0x80000047  }
0x6: {  	s7 =	sshll.u32 s5, $0xA;
	s29 =	ssub.s32 $0x2, s5;
	s8 =	sadd.s32 s8, s4  }
0x7: {  	s30 =	sshll.u32 s5, $0x11;
	s6 =	sor.u32 s7, s6;
	s9 =	sshrl.u32 s29, $0x1  }
0x8: {  	s31 =	sadd.s32 s30, s8;
	s8 =	simm.s32 $0x80;
	s6 =	sadd.s32 s6, s4  }
0x9: {  	s7 =	ssub.s32 s29, s9;
	s9 =	simm.s32 $0x2000;
	s4 =	sadd.s32 $0x1C00, s6  }
0xa: {  	s5 =	smax.u32 s7, $0x1;
	s6 =	sadd.s32 $0x89C00, s31;
	s7 =	simm.s32 $0x2  }
.LBB2_1:
0xb: {  	[tilespmem:s2], [sflag:$0x2] =	stream.linear.gather [hbm4b:s4+s2], $0x2000, $0x38;
	[tilespmem:$0x6000] =	vst v63  }
0xc: {  	_ =	swait.ge [sflag:s7], $0x2000  }
0xd: {  	[sflag:s7] =	ssyncset.done $0x0  }
0xe: {  	s12 =	simm.s32 $0x0;
	[sflag:s7] =	ssyncadd.s32 $0xFFFFE000  }
0xf: {  	[tilespmem:s9], [sflag:$0x1] =	stream.indirect.gather [hbm4b:s3+s8], $0x80, s12, s8, $0xb8;
	[tilespmem:$0x6000] =	vst v63  }
0x10: {  	_ =	swait.ge [sflag:s10], $0x4000  }
0x11: {  	[sflag:s10] =	ssyncset.done $0x0  }
0x12: {  	[sflag:s10] =	ssyncadd.s32 $0xFFFFC000  }
0x13: {  	[hbm4b:s6+s2] =	stream.linear.scatter [tilespmem:s9], [sflag:$0x2], $0x4000, $0x38;
	[tilespmem:$0x6000] =	vst v63  }
0x14: {  	s13 =	simm.s32 $0x200;
	_ =	swait.ge [sflag:s7], $0x4000  }
0x15: {  	s14 =	simm.s32 $0x400;
	s12 =	sadd.s32 $0x800, s6;
	[sflag:s7] =	ssyncset.done $0x0  }
.LBB2_2:
0x16: {  	s15 =	sshra.s32 s13, $0x2  }
0x17: {  	[sflag:s7] =	ssyncadd.s32 $0xFFFFC000;
	s13 =	smov.u32 s14;
	s16 =	sadd.s32 $0x200, s14  }
0x18: {  	[tilespmem:s9], [sflag:$0x1] =	stream.indirect.gather [hbm4b:s3+s8], $0x80, s15, s8, $0xb8;
	[tilespmem:$0x6000] =	vst v63  }
0x19: {  	p0 =	sne.s32 s14, $0x7E00;
	_ =	swait.ge [sflag:s10], $0x4000  }
.Ltmp0:
0x1a: {  	[sflag:s10] =	ssyncset.done $0x0;
	(pc) =	sbr.rel @p0 .LBB2_2-.Ltmp0, $4  }
0x1b: {  	[sflag:s10] =	ssyncadd.s32 $0xFFFFC000  }
0x1c: {  	[hbm4b:s12+s2] =	stream.linear.scatter [tilespmem:s9], [sflag:$0x2], $0x4000, $0x38;
	[tilespmem:$0x6000] =	vst v63  }
0x1d: {  	_ =	swait.ge [sflag:s7], $0x4000  }
0x1e: {  	s14 =	smov.u32 s16;
	s12 =	sadd.s32 $0x800, s12;
	[sflag:s7] =	ssyncset.done $0x0  }
0x1f: {  	s13 =	sshra.s32 s13, $0x2;
	[sflag:s7] =	ssyncadd.s32 $0xFFFFC000  }
0x20: {  	[tilespmem:s9], [sflag:$0x1] =	stream.indirect.gather [hbm4b:s3+s8], $0x80, s13, s8, $0xb8;
	[tilespmem:$0x6000] =	vst v63  }
0x21: {  	s11 =	sadd.s32 $0x1, s11;
	_ =	swait.ge [sflag:s10], $0x4000  }
0x22: {  	p0 =	sne.s32 s11, s5;
	[sflag:s10] =	ssyncset.done $0x0  }
.Ltmp1:
0x23: {  	[sflag:s10] =	ssyncadd.s32 $0xFFFFC000;
	(pc) =	sbr.rel @p0 .LBB2_1-.Ltmp1, $4  }
0x24: {  	[hbm4b:s12+s2] =	stream.linear.scatter [tilespmem:s9], [sflag:$0x2], $0x4000, $0x38;
	[tilespmem:$0x6000] =	vst v63  }
0x25: {  	_ =	swait.ge [sflag:s7], $0x4000  }
0x26: {  	[sflag:s7] =	ssyncset.done $0x0  }
0x27: {  	[sflag:s7] =	ssyncadd.s32 $0xFFFFC000  }
0x28: {  	_ =	sfence.sel $0x180000  }
0x29: {  	[bflag:$0x0] =	sbarrier.arrive $0xFFFF  }
0x2a: {  	p0 =	sne.s32 s1, $0x0;
	_ =	strace $0x90000047  }
0x2b: {  	s0 =	sadd.s32 @!p0 $0x100000, s0;
	[bflag:$0x2] =	sbarrier.arrive $0xFFFF  }
0x2c: {  	[sflag:s0] =	ssyncadd.tile.s32 @!p0 $0x1;
	_ =	shalt  }
.Lfunc_end2:
_tile_overlayer_lowered:
.L_overlay_start_2:
0x2d: {  	(tag) =	ssettag $0x2  }
0x2e: {  	s0 =	rddreg [dreg:$0x0];
	s2 =	stileid.u32  }
0x2f: {  	s1 =	rddreg [dreg:$0x1];
	p0 =	sne.s32 s2, $0x0  }
0x30: {  	s3 =	rddreg [dreg:$0x2];
	[bflag:$0x3] =	sbarrier.arrive $0xFFFF;
	s2 =	simm.s32 @!p0 $0x1C02  }
0x31: {  	[timem:s3], [sflag:s2] =	dma.local @!p0 [hbm:s0], s1  }
0x32: {  	s0 =	simm.s32 @!p0 $0x2  }
0x33: {  	_ =	swait.ge @!p0 [sflag:s0], s1  }
0x34: {  	s1 =	ssub.s32 @!p0 $0x0, s1;
	[sflag:s0] =	ssyncset.done @!p0 $0x0  }
0x35: {  	[sflag:s0] =	ssyncadd.s32 @!p0 s1  }
0x36: {  	[bflag:$0x3] =	sbarrier.arrive $0xFFFF  }
0x37: {  	_ =	shalt  }

</sc_bundles>
